<compile_context>
chip_gen: v7x
topology: tpu7x:2x2x1
jax: 0.10.2.dev20260603
libtpu: 0.0.44.dev20260713+nightly
codegen_flags: <defaults>
</compile_context>

<pallas_src>
import functools
import math

import numpy as np
import jax
import jax.numpy as jnp
from jax import lax
from jax.experimental import pallas as pl
from jax.experimental.pallas import tpu as pltpu
from jax.experimental.pallas import tpu_sc as plsc

_EPS = 1e-12
_NSLOT = 3


def _sin_tables(s, h):
    pos = np.arange(s, dtype=np.float32)[:, None]
    pe = np.zeros((s, h), np.float32)
    div = np.exp(np.arange(0, h, 2, dtype=np.float32) * -(math.log(10000.0) / h))
    pe[:, 0::2] = np.sin(pos * div)
    pe[:, 1::2] = np.cos(pos * div)
    hdim = h // 3
    hs = np.zeros((s, hdim), np.float32)
    divh = np.exp(np.arange(0, hdim, 2, dtype=np.float32) * -(math.log(10000.0) / hdim))
    hs[:, 0::2] = np.sin(pos * divh)
    hs[:, 1::2] = np.cos(pos * divh)
    return pe, hs


@functools.lru_cache(maxsize=None)
def _make_sc_gather(T, H, HS, C):
    info = plsc.get_sparse_core_info()
    NC, NS, L = info.num_cores, info.num_subcores, info.num_lanes
    NW = NC * NS
    TPW = T // NW
    NCH = TPW // C
    assert T % NW == 0 and TPW % C == 0 and NCH >= _NSLOT

    mesh = plsc.VectorSubcoreMesh(core_axis_name="c", subcore_axis_name="s")

    @functools.partial(
        pl.kernel,
        mesh=mesh,
        out_type=(jax.ShapeDtypeStruct((T, H), jnp.float32),
                  jax.ShapeDtypeStruct((T, HS), jnp.float32)),
        scratch_types=[
            pltpu.VMEM((TPW,), jnp.int32),
            pltpu.VMEM((TPW,), jnp.int32),
            pltpu.VMEM((_NSLOT, C, H), jnp.float32),
            pltpu.VMEM((_NSLOT, C, HS), jnp.float32),
            pltpu.SemaphoreType.DMA,
            pltpu.SemaphoreType.DMA,
            pltpu.SemaphoreType.DMA,
            pltpu.SemaphoreType.DMA,
        ],
    )
    def k(ids_h, para_h, wtab_h, hs_h, wout_h, hout_h,
          ids_v, para_v, wbuf, hbuf, gsem, gsem2, osem, osem2):
        wid = lax.axis_index("s") * NC + lax.axis_index("c")
        t0 = wid * TPW
        pltpu.sync_copy(ids_h.at[pl.ds(t0, TPW)], ids_v)
        pltpu.sync_copy(para_h.at[pl.ds(t0, TPW)], para_v)

        def start_gather(c, slot):
            pltpu.async_copy(
                wtab_h.at[ids_v.at[pl.ds(c * C, C)]], wbuf.at[slot], gsem)
            pltpu.async_copy(
                hs_h.at[para_v.at[pl.ds(c * C, C)]], hbuf.at[slot], gsem2)

        def wait_writeout(c, slot):
            pltpu.make_async_copy(
                wbuf.at[slot], wout_h.at[pl.ds(t0 + c * C, C)], osem).wait()
            pltpu.make_async_copy(
                hbuf.at[slot], hout_h.at[pl.ds(t0 + c * C, C)], osem2).wait()

        start_gather(0, 0)

        def chunk_body(c, carry):
            slot = lax.rem(c, _NSLOT)

            @pl.when(c + 1 < NCH)
            def _():
                nslot = lax.rem(c + 1, _NSLOT)

                @pl.when(c + 1 >= _NSLOT)
                def _():
                    wait_writeout(c + 1 - _NSLOT, nslot)

                start_gather(c + 1, nslot)

            pltpu.make_async_copy(
                wtab_h.at[ids_v.at[pl.ds(c * C, C)]], wbuf.at[slot], gsem).wait()
            pltpu.make_async_copy(
                hs_h.at[para_v.at[pl.ds(c * C, C)]], hbuf.at[slot], gsem2).wait()
            pltpu.async_copy(wbuf.at[slot], wout_h.at[pl.ds(t0 + c * C, C)], osem)
            pltpu.async_copy(hbuf.at[slot], hout_h.at[pl.ds(t0 + c * C, C)], osem2)
            return carry

        lax.fori_loop(0, NCH, chunk_body, 0)
        for c in range(NCH - min(_NSLOT, NCH), NCH):
            wait_writeout(c, c % _NSLOT)

    return k


def _tc_body(wref, hsref, peref, ttref, ttabref, gamref, betref, oref):
    w = wref[...]
    hs = hsref[...]
    pe = peref[...]
    tf = jnp.transpose(ttref[0])
    t0 = ttabref[0:1, :]
    td = ttabref[1:2, :] - t0
    acc = w + pe + (t0 + tf * td) + jnp.concatenate([hs, hs, hs], axis=1)
    mean = jnp.mean(acc, axis=1, keepdims=True)
    cen = acc - mean
    var = jnp.mean(cen * cen, axis=1, keepdims=True)
    inv = lax.rsqrt(var + _EPS)
    oref[...] = (cen * inv) * gamref[...] + betref[...]


@functools.lru_cache(maxsize=None)
def _make_tc_ln(B, S, H, BT):
    T = B * S
    SB = S // BT
    grid = (SB, B)

    return pl.pallas_call(
        _tc_body,
        grid=grid,
        in_specs=[
            pl.BlockSpec((BT, H), lambda sb, b: (b * SB + sb, 0)),
            pl.BlockSpec((BT, H // 3), lambda sb, b: (b * SB + sb, 0)),
            pl.BlockSpec((BT, H), lambda sb, b: (sb, 0)),
            pl.BlockSpec((1, 1, BT), lambda sb, b: (b * SB + sb, 0, 0)),
            pl.BlockSpec((2, H), lambda sb, b: (0, 0)),
            pl.BlockSpec((1, H), lambda sb, b: (0, 0)),
            pl.BlockSpec((1, H), lambda sb, b: (0, 0)),
        ],
        out_specs=pl.BlockSpec((BT, H), lambda sb, b: (b * SB + sb, 0)),
        out_shape=jax.ShapeDtypeStruct((T, H), jnp.float32),
    )


def kernel(input_ids, tok_struct_vec, sent_struct_vec, token_type_ids,
           word_table, type_table, ln_gamma, ln_beta):
    B, S = input_ids.shape
    H = word_table.shape[1]
    BT = 2048
    pe_np, hs_np = _sin_tables(S, H)
    ids = input_ids.reshape(-1).astype(jnp.int32)
    para = tok_struct_vec[..., 0].reshape(-1).astype(jnp.int32)
    tt3 = token_type_ids.reshape(-1, 1, BT).astype(jnp.float32)

    sc = _make_sc_gather(B * S, H, H // 3, 32)
    wrows, hsrows = sc(ids, para, word_table.astype(jnp.float32),
                       jnp.asarray(hs_np))

    tc = _make_tc_ln(B, S, H, BT)
    out = tc(wrows, hsrows, jnp.asarray(pe_np), tt3,
             type_table.astype(jnp.float32),
             ln_gamma.reshape(1, H).astype(jnp.float32),
             ln_beta.reshape(1, H).astype(jnp.float32))
    return out.reshape(B, S, H)

# --- scband reference (transcript-rebuilt; emitter-appended) ---
"""Pipeline reference for scband-sintok-input-emb-concat-77936476553915 (READ-ONLY COPY).

The authoritative reference and input builder live on the scoring server;
editing this copy changes nothing except your own understanding.
"""

import math
import jax, jax.numpy as jnp
import numpy as np

VOCAB = 100000
HIDDEN = 768
TYPE_VOCAB = 2
MAX_LEN = 5000
EPS = 1e-12
B, S = 4, 2048


def _sin_pe(dim, max_len=MAX_LEN):
    pe = np.zeros((max_len, dim), dtype=np.float32)
    position = np.arange(0, max_len)[:, None].astype(np.float32)
    div_term = np.exp(np.arange(0, dim, 2, dtype=np.float32) * -(math.log(10000.0) / dim))
    pe[:, 0::2] = np.sin(position * div_term)
    pe[:, 1::2] = np.cos(position * div_term)
    return jnp.asarray(pe)[None]  # [1, max_len, dim]


def setup_inputs(seed: int = 0) -> dict:
    key = jax.random.key(seed)
    k1, k2, k3, k4, k5, k6 = jax.random.split(key, 6)
    input_ids = jax.random.randint(k1, (B, S), 0, VOCAB, dtype=jnp.int64 if jax.config.jax_enable_x64 else jnp.int32)
    tok_struct_vec = jax.random.randint(k2, (B, S, 3), 0, S)
    sent_struct_vec = jax.random.randint(k3, (B, S, 3), 0, S)
    token_type_ids = jax.random.randint(k4, (B, S), 0, TYPE_VOCAB)
    word_table = jax.random.normal(k5, (VOCAB, HIDDEN), dtype=jnp.float32) * 0.02
    type_table = jax.random.normal(k6, (TYPE_VOCAB, HIDDEN), dtype=jnp.float32) * 0.02
    ln_gamma = jnp.ones((HIDDEN,), dtype=jnp.float32)
    ln_beta = jnp.zeros((HIDDEN,), dtype=jnp.float32)
    return {"input_ids": input_ids, "tok_struct_vec": tok_struct_vec,
            "sent_struct_vec": sent_struct_vec, "token_type_ids": token_type_ids,
            "word_table": word_table, "type_table": type_table,
            "ln_gamma": ln_gamma, "ln_beta": ln_beta}


def reference(input_ids, tok_struct_vec, sent_struct_vec, token_type_ids,
              word_table, type_table, ln_gamma, ln_beta):
    b, s = input_ids.shape
    h = word_table.shape[1]
    pe = _sin_pe(h)[:, :s]                       # [1, S, H]
    hs_pe = _sin_pe(h // 3)                       # [1, MAX_LEN, H/3]
    words_embeddings = jnp.take(word_table, input_ids, axis=0)          # [B, S, H]
    token_type_embeddings = jnp.take(type_table, token_type_ids, axis=0)
    position_embeddings = jnp.broadcast_to(pe, (b, s, h))
    # NOTE: original torch compute_se ignores its `pos` argument and always
    # uses para_pos (a bug in the source module) -- replicated faithfully.
    para_pos = tok_struct_vec[:, :, 0]
    se = jnp.take(hs_pe[0], para_pos, axis=0)     # [B, S, H/3]
    para_position_embeddings = se
    sent_position_embeddings = se
    tok_position_embeddings = se
    tok_struct_embeddings = jnp.concatenate(
        (para_position_embeddings, sent_position_embeddings, tok_position_embeddings), axis=2)
    embeddings = words_embeddings + position_embeddings + token_type_embeddings + tok_struct_embeddings
    mean = jnp.mean(embeddings, axis=-1, keepdims=True)
    var = jnp.mean((embeddings - mean) ** 2, axis=-1, keepdims=True)
    embeddings = (embeddings - mean) / jnp.sqrt(var + EPS)
    embeddings = embeddings * ln_gamma + ln_beta
    # dropout is identity in eval mode
    return embeddings

if __name__ == "__main__":
    import jax
    _d = setup_inputs()
    print(jax.jit(kernel)(*tuple(_d.values())))

</pallas_src>

<mosaic_0001>
#map = affine_map<(d0, d1) -> (0)>
#map1 = affine_map<(d0, d1) -> (0, 0)>
module attributes {stable_mosaic.version = 14 : i64} {
  func.func @k(%arg0: i32, %arg1: i32, %arg2: memref<8192xi32, #tpu.memory_space<hbm>>, %arg3: memref<8192xi32, #tpu.memory_space<hbm>>, %arg4: memref<100000x768xf32, #tpu.memory_space<hbm>>, %arg5: memref<2048x256xf32, #tpu.memory_space<hbm>>, %arg6: memref<8192x768xf32, #tpu.memory_space<hbm>>, %arg7: memref<8192x256xf32, #tpu.memory_space<hbm>>, %arg8: memref<256xi32, #tpu.memory_space<vmem>>, %arg9: memref<256xi32, #tpu.memory_space<vmem>>, %arg10: memref<3x32x768xf32, #tpu.memory_space<vmem>>, %arg11: memref<3x32x256xf32, #tpu.memory_space<vmem>>, %arg12: memref<!tpu.dma_semaphore, #tpu.memory_space<semaphore_mem>>, %arg13: memref<!tpu.dma_semaphore, #tpu.memory_space<semaphore_mem>>, %arg14: memref<!tpu.dma_semaphore, #tpu.memory_space<semaphore_mem>>, %arg15: memref<!tpu.dma_semaphore, #tpu.memory_space<semaphore_mem>>) attributes {dimension_semantics = [#tpu.dimension_semantics<core_parallel>, #tpu.dimension_semantics<subcore_parallel>], iteration_bounds = array<i64: 2, 16>, scalar_prefetch = 0 : i64, scratch_operands = 8 : i64, tpu.core_type = #tpu.core_type<sc_vector_subcore>, window_params = [{transform_indices = #map}, {transform_indices = #map}, {transform_indices = #map1}, {transform_indices = #map1}, {transform_indices = #map1}, {transform_indices = #map1}]} {
    %mul3A = arith.constant 2 : i32
    %mul3A_0 = arith.muli %arg1, %mul3A : i32
    %add3A = arith.addi %mul3A_0, %arg0 : i32
    %mul3A_1 = arith.constant 256 : i32
    %mul3A_2 = arith.muli %add3A, %mul3A_1 : i32
    "tpu.region"() ({
      %run_scoped3A = tpu.sem_alloc : memref<!tpu.dma_semaphore, #tpu.memory_space<semaphore_mem>>
      %dma_start3A_116 = tpu.memref_slice %arg2[%mul3A_2] : memref<8192xi32, #tpu.memory_space<hbm>> -> memref<256xi32, #tpu.memory_space<hbm>>
      %dma_start3A_117 = tpu.memref_slice %arg2[%mul3A_2] : memref<8192xi32, #tpu.memory_space<hbm>> -> memref<256xi32, #tpu.memory_space<hbm>>
      tpu.enqueue_dma source(%dma_start3A_117 : memref<256xi32, #tpu.memory_space<hbm>>) target(%arg8 : memref<256xi32, #tpu.memory_space<vmem>>) target_semaphore(%run_scoped3A : memref<!tpu.dma_semaphore, #tpu.memory_space<semaphore_mem>>)
      %dma_wait3A_118 = tpu.memref_slice %arg2[%mul3A_2] : memref<8192xi32, #tpu.memory_space<hbm>> -> memref<256xi32, #tpu.memory_space<hbm>>
      %dma_wait3A_119 = tpu.memref_slice %arg2[%mul3A_2] : memref<8192xi32, #tpu.memory_space<hbm>> -> memref<256xi32, #tpu.memory_space<hbm>>
      tpu.wait_dma2 semaphore(%run_scoped3A : memref<!tpu.dma_semaphore, #tpu.memory_space<semaphore_mem>>) src(%dma_wait3A_119 : memref<256xi32, #tpu.memory_space<hbm>>) dst(%arg8 : memref<256xi32, #tpu.memory_space<vmem>>)
      tpu.yield
    }) : () -> ()
    "tpu.region"() ({
      %run_scoped3A = tpu.sem_alloc : memref<!tpu.dma_semaphore, #tpu.memory_space<semaphore_mem>>
      %dma_start3A_116 = tpu.memref_slice %arg3[%mul3A_2] : memref<8192xi32, #tpu.memory_space<hbm>> -> memref<256xi32, #tpu.memory_space<hbm>>
      %dma_start3A_117 = tpu.memref_slice %arg3[%mul3A_2] : memref<8192xi32, #tpu.memory_space<hbm>> -> memref<256xi32, #tpu.memory_space<hbm>>
      tpu.enqueue_dma source(%dma_start3A_117 : memref<256xi32, #tpu.memory_space<hbm>>) target(%arg9 : memref<256xi32, #tpu.memory_space<vmem>>) target_semaphore(%run_scoped3A : memref<!tpu.dma_semaphore, #tpu.memory_space<semaphore_mem>>)
      %dma_wait3A_118 = tpu.memref_slice %arg3[%mul3A_2] : memref<8192xi32, #tpu.memory_space<hbm>> -> memref<256xi32, #tpu.memory_space<hbm>>
      %dma_wait3A_119 = tpu.memref_slice %arg3[%mul3A_2] : memref<8192xi32, #tpu.memory_space<hbm>> -> memref<256xi32, #tpu.memory_space<hbm>>
      tpu.wait_dma2 semaphore(%run_scoped3A : memref<!tpu.dma_semaphore, #tpu.memory_space<semaphore_mem>>) src(%dma_wait3A_119 : memref<256xi32, #tpu.memory_space<hbm>>) dst(%arg9 : memref<256xi32, #tpu.memory_space<vmem>>)
      tpu.yield
    }) : () -> ()
    %dma_start3A = arith.constant 0 : i32
    %dma_start3A_3 = arith.constant 0 : i32
    %dma_start3A_4 = arith.constant 0 : i32
    %dma_start3A_5 = tpu.memref_slice %arg10[%dma_start3A, %dma_start3A_3, %dma_start3A_4] : memref<3x32x768xf32, #tpu.memory_space<vmem>> -> memref<1x32x768xf32, #tpu.memory_space<vmem>>
    %dma_start3A_6 = tpu.memref_squeeze %dma_start3A_5 : memref<1x32x768xf32, #tpu.memory_space<vmem>> -> memref<32x768xf32, #tpu.memory_space<vmem>>
    %dma_start3A_7 = arith.constant 0 : i32
    %dma_start3A_8 = tpu.memref_slice %arg8[%dma_start3A_7] : memref<256xi32, #tpu.memory_space<vmem>> -> memref<32xi32, #tpu.memory_space<vmem>>
    %dma_start3A_9 = arith.constant 0 : i32
    %dma_start3A_10 = arith.constant 0 : i32
    %dma_start3A_11 = tpu.memref_slice %arg4[%dma_start3A_9, %dma_start3A_10] : memref<100000x768xf32, #tpu.memory_space<hbm>> -> memref<100000x768xf32, #tpu.memory_space<hbm>>
    tpu.enqueue_indirect_dma source(%dma_start3A_11 : memref<100000x768xf32, #tpu.memory_space<hbm>>) target(%dma_start3A_6 : memref<32x768xf32, #tpu.memory_space<vmem>>) offsets(%dma_start3A_8 : memref<32xi32, #tpu.memory_space<vmem>>) semaphore(%arg12 : memref<!tpu.dma_semaphore, #tpu.memory_space<semaphore_mem>>)
    %dma_start3A_12 = arith.constant 0 : i32
    %dma_start3A_13 = arith.constant 0 : i32
    %dma_start3A_14 = arith.constant 0 : i32
    %dma_start3A_15 = tpu.memref_slice %arg11[%dma_start3A_12, %dma_start3A_13, %dma_start3A_14] : memref<3x32x256xf32, #tpu.memory_space<vmem>> -> memref<1x32x256xf32, #tpu.memory_space<vmem>>
    %dma_start3A_16 = tpu.memref_squeeze %dma_start3A_15 : memref<1x32x256xf32, #tpu.memory_space<vmem>> -> memref<32x256xf32, #tpu.memory_space<vmem>>
    %dma_start3A_17 = arith.constant 0 : i32
    %dma_start3A_18 = tpu.memref_slice %arg9[%dma_start3A_17] : memref<256xi32, #tpu.memory_space<vmem>> -> memref<32xi32, #tpu.memory_space<vmem>>
    %dma_start3A_19 = arith.constant 0 : i32
    %dma_start3A_20 = arith.constant 0 : i32
    %dma_start3A_21 = tpu.memref_slice %arg5[%dma_start3A_19, %dma_start3A_20] : memref<2048x256xf32, #tpu.memory_space<hbm>> -> memref<2048x256xf32, #tpu.memory_space<hbm>>
    tpu.enqueue_indirect_dma source(%dma_start3A_21 : memref<2048x256xf32, #tpu.memory_space<hbm>>) target(%dma_start3A_16 : memref<32x256xf32, #tpu.memory_space<vmem>>) offsets(%dma_start3A_18 : memref<32xi32, #tpu.memory_space<vmem>>) semaphore(%arg13 : memref<!tpu.dma_semaphore, #tpu.memory_space<semaphore_mem>>)
    %scan3A = arith.constant 0 : i32
    %scan3A_22 = arith.constant 0 : i32
    %scan3A_23 = arith.constant 8 : i32
    %scan3A_24 = arith.addi %scan3A_22, %scan3A_23 : i32
    %scan3A_25 = arith.constant 1 : i32
    scf.for %scan3A_116 = %scan3A_22 to %scan3A_24 step %scan3A_25  : i32 {
      %rem3A = arith.constant 3 : i32
      %rem3A_117 = arith.remsi %scan3A_116, %rem3A : i32
      %add3A_118 = arith.constant 1 : i32
      %add3A_119 = arith.addi %scan3A_116, %add3A_118 : i32
      %lt3A = arith.constant 8 : i32
      %lt3A_120 = arith.cmpi slt, %add3A_119, %lt3A : i32
      %convert_element_type3A = arith.extui %lt3A_120 : i1 to i32
      %cond3A = arith.constant 0 : i32
      %cond3A_121 = arith.cmpi ne, %convert_element_type3A, %cond3A : i32
      scf.if %cond3A_121 {
        %add3A_172 = arith.constant 1 : i32
        %add3A_173 = arith.addi %scan3A_116, %add3A_172 : i32
        %rem3A_174 = arith.constant 3 : i32
        %rem3A_175 = arith.remsi %add3A_173, %rem3A_174 : i32
        %add3A_176 = arith.constant 1 : i32
        %add3A_177 = arith.addi %scan3A_116, %add3A_176 : i32
        %ge3A = arith.constant 3 : i32
        %ge3A_178 = arith.cmpi sge, %add3A_177, %ge3A : i32
        %convert_element_type3A_179 = arith.extui %ge3A_178 : i1 to i32
        %cond3A_180 = arith.constant 0 : i32
        %cond3A_181 = arith.cmpi ne, %convert_element_type3A_179, %cond3A_180 : i32
        scf.if %cond3A_181 {
          %add3A_204 = arith.constant 1 : i32
          %add3A_205 = arith.addi %scan3A_116, %add3A_204 : i32
          %sub3A = arith.constant 3 : i32
          %sub3A_206 = arith.subi %add3A_205, %sub3A : i32
          %mul3A_207 = arith.constant 32 : i32
          %mul3A_208 = arith.muli %sub3A_206, %mul3A_207 : i32
          %add3A_209 = arith.addi %mul3A_2, %mul3A_208 : i32
          %dma_wait3A_210 = arith.constant 0 : i32
          %dma_wait3A_211 = arith.constant 0 : i32
          %dma_wait3A_212 = tpu.memref_slice %arg10[%rem3A_175, %dma_wait3A_210, %dma_wait3A_211] : memref<3x32x768xf32, #tpu.memory_space<vmem>> -> memref<1x32x768xf32, #tpu.memory_space<vmem>>
          %dma_wait3A_213 = tpu.memref_squeeze %dma_wait3A_212 : memref<1x32x768xf32, #tpu.memory_space<vmem>> -> memref<32x768xf32, #tpu.memory_space<vmem>>
          %dma_wait3A_214 = arith.constant 0 : i32
          %dma_wait3A_215 = tpu.memref_slice %arg6[%add3A_209, %dma_wait3A_214] : memref<8192x768xf32, #tpu.memory_space<hbm>> -> memref<32x768xf32, #tpu.memory_space<hbm>>
          %dma_wait3A_216 = arith.constant 0 : i32
          %dma_wait3A_217 = tpu.memref_slice %arg6[%add3A_209, %dma_wait3A_216] : memref<8192x768xf32, #tpu.memory_space<hbm>> -> memref<32x768xf32, #tpu.memory_space<hbm>>
          %dma_wait3A_218 = arith.constant 0 : i32
          %dma_wait3A_219 = arith.constant 0 : i32
          %dma_wait3A_220 = tpu.memref_slice %arg10[%rem3A_175, %dma_wait3A_218, %dma_wait3A_219] : memref<3x32x768xf32, #tpu.memory_space<vmem>> -> memref<1x32x768xf32, #tpu.memory_space<vmem>>
          %dma_wait3A_221 = tpu.memref_squeeze %dma_wait3A_220 : memref<1x32x768xf32, #tpu.memory_space<vmem>> -> memref<32x768xf32, #tpu.memory_space<vmem>>
          tpu.wait_dma2 semaphore(%arg14 : memref<!tpu.dma_semaphore, #tpu.memory_space<semaphore_mem>>) src(%dma_wait3A_221 : memref<32x768xf32, #tpu.memory_space<vmem>>) dst(%dma_wait3A_217 : memref<32x768xf32, #tpu.memory_space<hbm>>)
          %mul3A_222 = arith.constant 32 : i32
          %mul3A_223 = arith.muli %sub3A_206, %mul3A_222 : i32
          %add3A_224 = arith.addi %mul3A_2, %mul3A_223 : i32
          %dma_wait3A_225 = arith.constant 0 : i32
          %dma_wait3A_226 = arith.constant 0 : i32
          %dma_wait3A_227 = tpu.memref_slice %arg11[%rem3A_175, %dma_wait3A_225, %dma_wait3A_226] : memref<3x32x256xf32, #tpu.memory_space<vmem>> -> memref<1x32x256xf32, #tpu.memory_space<vmem>>
          %dma_wait3A_228 = tpu.memref_squeeze %dma_wait3A_227 : memref<1x32x256xf32, #tpu.memory_space<vmem>> -> memref<32x256xf32, #tpu.memory_space<vmem>>
          %dma_wait3A_229 = arith.constant 0 : i32
          %dma_wait3A_230 = tpu.memref_slice %arg7[%add3A_224, %dma_wait3A_229] : memref<8192x256xf32, #tpu.memory_space<hbm>> -> memref<32x256xf32, #tpu.memory_space<hbm>>
          %dma_wait3A_231 = arith.constant 0 : i32
          %dma_wait3A_232 = tpu.memref_slice %arg7[%add3A_224, %dma_wait3A_231] : memref<8192x256xf32, #tpu.memory_space<hbm>> -> memref<32x256xf32, #tpu.memory_space<hbm>>
          %dma_wait3A_233 = arith.constant 0 : i32
          %dma_wait3A_234 = arith.constant 0 : i32
          %dma_wait3A_235 = tpu.memref_slice %arg11[%rem3A_175, %dma_wait3A_233, %dma_wait3A_234] : memref<3x32x256xf32, #tpu.memory_space<vmem>> -> memref<1x32x256xf32, #tpu.memory_space<vmem>>
          %dma_wait3A_236 = tpu.memref_squeeze %dma_wait3A_235 : memref<1x32x256xf32, #tpu.memory_space<vmem>> -> memref<32x256xf32, #tpu.memory_space<vmem>>
          tpu.wait_dma2 semaphore(%arg15 : memref<!tpu.dma_semaphore, #tpu.memory_space<semaphore_mem>>) src(%dma_wait3A_236 : memref<32x256xf32, #tpu.memory_space<vmem>>) dst(%dma_wait3A_232 : memref<32x256xf32, #tpu.memory_space<hbm>>)
        } else {
        }
        %add3A_182 = arith.constant 1 : i32
        %add3A_183 = arith.addi %scan3A_116, %add3A_182 : i32
        %mul3A_184 = arith.constant 32 : i32
        %mul3A_185 = arith.muli %add3A_183, %mul3A_184 : i32
        %dma_start3A_186 = arith.constant 0 : i32
        %dma_start3A_187 = arith.constant 0 : i32
        %dma_start3A_188 = tpu.memref_slice %arg10[%rem3A_175, %dma_start3A_186, %dma_start3A_187] : memref<3x32x768xf32, #tpu.memory_space<vmem>> -> memref<1x32x768xf32, #tpu.memory_space<vmem>>
        %dma_start3A_189 = tpu.memref_squeeze %dma_start3A_188 : memref<1x32x768xf32, #tpu.memory_space<vmem>> -> memref<32x768xf32, #tpu.memory_space<vmem>>
        %dma_start3A_190 = tpu.memref_slice %arg8[%mul3A_185] : memref<256xi32, #tpu.memory_space<vmem>> -> memref<32xi32, #tpu.memory_space<vmem>>
        %dma_start3A_191 = arith.constant 0 : i32
        %dma_start3A_192 = arith.constant 0 : i32
        %dma_start3A_193 = tpu.memref_slice %arg4[%dma_start3A_191, %dma_start3A_192] : memref<100000x768xf32, #tpu.memory_space<hbm>> -> memref<100000x768xf32, #tpu.memory_space<hbm>>
        tpu.enqueue_indirect_dma source(%dma_start3A_193 : memref<100000x768xf32, #tpu.memory_space<hbm>>) target(%dma_start3A_189 : memref<32x768xf32, #tpu.memory_space<vmem>>) offsets(%dma_start3A_190 : memref<32xi32, #tpu.memory_space<vmem>>) semaphore(%arg12 : memref<!tpu.dma_semaphore, #tpu.memory_space<semaphore_mem>>)
        %mul3A_194 = arith.constant 32 : i32
        %mul3A_195 = arith.muli %add3A_183, %mul3A_194 : i32
        %dma_start3A_196 = arith.constant 0 : i32
        %dma_start3A_197 = arith.constant 0 : i32
        %dma_start3A_198 = tpu.memref_slice %arg11[%rem3A_175, %dma_start3A_196, %dma_start3A_197] : memref<3x32x256xf32, #tpu.memory_space<vmem>> -> memref<1x32x256xf32, #tpu.memory_space<vmem>>
        %dma_start3A_199 = tpu.memref_squeeze %dma_start3A_198 : memref<1x32x256xf32, #tpu.memory_space<vmem>> -> memref<32x256xf32, #tpu.memory_space<vmem>>
        %dma_start3A_200 = tpu.memref_slice %arg9[%mul3A_195] : memref<256xi32, #tpu.memory_space<vmem>> -> memref<32xi32, #tpu.memory_space<vmem>>
        %dma_start3A_201 = arith.constant 0 : i32
        %dma_start3A_202 = arith.constant 0 : i32
        %dma_start3A_203 = tpu.memref_slice %arg5[%dma_start3A_201, %dma_start3A_202] : memref<2048x256xf32, #tpu.memory_space<hbm>> -> memref<2048x256xf32, #tpu.memory_space<hbm>>
        tpu.enqueue_indirect_dma source(%dma_start3A_203 : memref<2048x256xf32, #tpu.memory_space<hbm>>) target(%dma_start3A_199 : memref<32x256xf32, #tpu.memory_space<vmem>>) offsets(%dma_start3A_200 : memref<32xi32, #tpu.memory_space<vmem>>) semaphore(%arg13 : memref<!tpu.dma_semaphore, #tpu.memory_space<semaphore_mem>>)
      } else {
      }
      %mul3A_122 = arith.constant 32 : i32
      %mul3A_123 = arith.muli %scan3A_116, %mul3A_122 : i32
      %dma_wait3A_124 = arith.constant 0 : i32
      %dma_wait3A_125 = arith.constant 0 : i32
      %dma_wait3A_126 = tpu.memref_slice %arg10[%rem3A_117, %dma_wait3A_124, %dma_wait3A_125] : memref<3x32x768xf32, #tpu.memory_space<vmem>> -> memref<1x32x768xf32, #tpu.memory_space<vmem>>
      %dma_wait3A_127 = tpu.memref_squeeze %dma_wait3A_126 : memref<1x32x768xf32, #tpu.memory_space<vmem>> -> memref<32x768xf32, #tpu.memory_space<vmem>>
      %dma_wait3A_128 = tpu.memref_slice %arg8[%mul3A_123] : memref<256xi32, #tpu.memory_space<vmem>> -> memref<32xi32, #tpu.memory_space<vmem>>
      %dma_wait3A_129 = arith.constant 0 : i32
      %dma_wait3A_130 = arith.constant 0 : i32
      %dma_wait3A_131 = tpu.memref_slice %arg4[%dma_wait3A_129, %dma_wait3A_130] : memref<100000x768xf32, #tpu.memory_space<hbm>> -> memref<100000x768xf32, #tpu.memory_space<hbm>>
      tpu.wait_indirect_dma semaphore(%arg12 : memref<!tpu.dma_semaphore, #tpu.memory_space<semaphore_mem>>) src(%dma_wait3A_131 : memref<100000x768xf32, #tpu.memory_space<hbm>>) dst(%dma_wait3A_127 : memref<32x768xf32, #tpu.memory_space<vmem>>)
      %mul3A_132 = arith.constant 32 : i32
      %mul3A_133 = arith.muli %scan3A_116, %mul3A_132 : i32
      %dma_wait3A_134 = arith.constant 0 : i32
      %dma_wait3A_135 = arith.constant 0 : i32
      %dma_wait3A_136 = tpu.memref_slice %arg11[%rem3A_117, %dma_wait3A_134, %dma_wait3A_135] : memref<3x32x256xf32, #tpu.memory_space<vmem>> -> memref<1x32x256xf32, #tpu.memory_space<vmem>>
      %dma_wait3A_137 = tpu.memref_squeeze %dma_wait3A_136 : memref<1x32x256xf32, #tpu.memory_space<vmem>> -> memref<32x256xf32, #tpu.memory_space<vmem>>
      %dma_wait3A_138 = tpu.memref_slice %arg9[%mul3A_133] : memref<256xi32, #tpu.memory_space<vmem>> -> memref<32xi32, #tpu.memory_space<vmem>>
      %dma_wait3A_139 = arith.constant 0 : i32
      %dma_wait3A_140 = arith.constant 0 : i32
      %dma_wait3A_141 = tpu.memref_slice %arg5[%dma_wait3A_139, %dma_wait3A_140] : memref<2048x256xf32, #tpu.memory_space<hbm>> -> memref<2048x256xf32, #tpu.memory_space<hbm>>
      tpu.wait_indirect_dma semaphore(%arg13 : memref<!tpu.dma_semaphore, #tpu.memory_space<semaphore_mem>>) src(%dma_wait3A_141 : memref<2048x256xf32, #tpu.memory_space<hbm>>) dst(%dma_wait3A_137 : memref<32x256xf32, #tpu.memory_space<vmem>>)
      %mul3A_142 = arith.constant 32 : i32
      %mul3A_143 = arith.muli %scan3A_116, %mul3A_142 : i32
      %add3A_144 = arith.addi %mul3A_2, %mul3A_143 : i32
      %dma_start3A_145 = arith.constant 0 : i32
      %dma_start3A_146 = arith.constant 0 : i32
      %dma_start3A_147 = tpu.memref_slice %arg10[%rem3A_117, %dma_start3A_145, %dma_start3A_146] : memref<3x32x768xf32, #tpu.memory_space<vmem>> -> memref<1x32x768xf32, #tpu.memory_space<vmem>>
      %dma_start3A_148 = tpu.memref_squeeze %dma_start3A_147 : memref<1x32x768xf32, #tpu.memory_space<vmem>> -> memref<32x768xf32, #tpu.memory_space<vmem>>
      %dma_start3A_149 = arith.constant 0 : i32
      %dma_start3A_150 = tpu.memref_slice %arg6[%add3A_144, %dma_start3A_149] : memref<8192x768xf32, #tpu.memory_space<hbm>> -> memref<32x768xf32, #tpu.memory_space<hbm>>
      %dma_start3A_151 = arith.constant 0 : i32
      %dma_start3A_152 = tpu.memref_slice %arg6[%add3A_144, %dma_start3A_151] : memref<8192x768xf32, #tpu.memory_space<hbm>> -> memref<32x768xf32, #tpu.memory_space<hbm>>
      %dma_start3A_153 = arith.constant 0 : i32
      %dma_start3A_154 = arith.constant 0 : i32
      %dma_start3A_155 = tpu.memref_slice %arg10[%rem3A_117, %dma_start3A_153, %dma_start3A_154] : memref<3x32x768xf32, #tpu.memory_space<vmem>> -> memref<1x32x768xf32, #tpu.memory_space<vmem>>
      %dma_start3A_156 = tpu.memref_squeeze %dma_start3A_155 : memref<1x32x768xf32, #tpu.memory_space<vmem>> -> memref<32x768xf32, #tpu.memory_space<vmem>>
      tpu.enqueue_dma source(%dma_start3A_156 : memref<32x768xf32, #tpu.memory_space<vmem>>) target(%dma_start3A_152 : memref<32x768xf32, #tpu.memory_space<hbm>>) target_semaphore(%arg14 : memref<!tpu.dma_semaphore, #tpu.memory_space<semaphore_mem>>)
      %mul3A_157 = arith.constant 32 : i32
      %mul3A_158 = arith.muli %scan3A_116, %mul3A_157 : i32
      %add3A_159 = arith.addi %mul3A_2, %mul3A_158 : i32
      %dma_start3A_160 = arith.constant 0 : i32
      %dma_start3A_161 = arith.constant 0 : i32
      %dma_start3A_162 = tpu.memref_slice %arg11[%rem3A_117, %dma_start3A_160, %dma_start3A_161] : memref<3x32x256xf32, #tpu.memory_space<vmem>> -> memref<1x32x256xf32, #tpu.memory_space<vmem>>
      %dma_start3A_163 = tpu.memref_squeeze %dma_start3A_162 : memref<1x32x256xf32, #tpu.memory_space<vmem>> -> memref<32x256xf32, #tpu.memory_space<vmem>>
      %dma_start3A_164 = arith.constant 0 : i32
      %dma_start3A_165 = tpu.memref_slice %arg7[%add3A_159, %dma_start3A_164] : memref<8192x256xf32, #tpu.memory_space<hbm>> -> memref<32x256xf32, #tpu.memory_space<hbm>>
      %dma_start3A_166 = arith.constant 0 : i32
      %dma_start3A_167 = tpu.memref_slice %arg7[%add3A_159, %dma_start3A_166] : memref<8192x256xf32, #tpu.memory_space<hbm>> -> memref<32x256xf32, #tpu.memory_space<hbm>>
      %dma_start3A_168 = arith.constant 0 : i32
      %dma_start3A_169 = arith.constant 0 : i32
      %dma_start3A_170 = tpu.memref_slice %arg11[%rem3A_117, %dma_start3A_168, %dma_start3A_169] : memref<3x32x256xf32, #tpu.memory_space<vmem>> -> memref<1x32x256xf32, #tpu.memory_space<vmem>>
      %dma_start3A_171 = tpu.memref_squeeze %dma_start3A_170 : memref<1x32x256xf32, #tpu.memory_space<vmem>> -> memref<32x256xf32, #tpu.memory_space<vmem>>
      tpu.enqueue_dma source(%dma_start3A_171 : memref<32x256xf32, #tpu.memory_space<vmem>>) target(%dma_start3A_167 : memref<32x256xf32, #tpu.memory_space<hbm>>) target_semaphore(%arg15 : memref<!tpu.dma_semaphore, #tpu.memory_space<semaphore_mem>>)
    }
    %scan3A_26 = arith.constant 8 : i32
    %add3A_27 = arith.constant 160 : i32
    %add3A_28 = arith.addi %mul3A_2, %add3A_27 : i32
    %dma_wait3A = arith.constant 2 : i32
    %dma_wait3A_29 = arith.constant 0 : i32
    %dma_wait3A_30 = arith.constant 0 : i32
    %dma_wait3A_31 = tpu.memref_slice %arg10[%dma_wait3A, %dma_wait3A_29, %dma_wait3A_30] : memref<3x32x768xf32, #tpu.memory_space<vmem>> -> memref<1x32x768xf32, #tpu.memory_space<vmem>>
    %dma_wait3A_32 = tpu.memref_squeeze %dma_wait3A_31 : memref<1x32x768xf32, #tpu.memory_space<vmem>> -> memref<32x768xf32, #tpu.memory_space<vmem>>
    %dma_wait3A_33 = arith.constant 0 : i32
    %dma_wait3A_34 = tpu.memref_slice %arg6[%add3A_28, %dma_wait3A_33] : memref<8192x768xf32, #tpu.memory_space<hbm>> -> memref<32x768xf32, #tpu.memory_space<hbm>>
    %dma_wait3A_35 = arith.constant 0 : i32
    %dma_wait3A_36 = tpu.memref_slice %arg6[%add3A_28, %dma_wait3A_35] : memref<8192x768xf32, #tpu.memory_space<hbm>> -> memref<32x768xf32, #tpu.memory_space<hbm>>
    %dma_wait3A_37 = arith.constant 0 : i32
    %dma_wait3A_38 = arith.constant 0 : i32
    %dma_wait3A_39 = tpu.memref_slice %arg10[%dma_wait3A, %dma_wait3A_37, %dma_wait3A_38] : memref<3x32x768xf32, #tpu.memory_space<vmem>> -> memref<1x32x768xf32, #tpu.memory_space<vmem>>
    %dma_wait3A_40 = tpu.memref_squeeze %dma_wait3A_39 : memref<1x32x768xf32, #tpu.memory_space<vmem>> -> memref<32x768xf32, #tpu.memory_space<vmem>>
    tpu.wait_dma2 semaphore(%arg14 : memref<!tpu.dma_semaphore, #tpu.memory_space<semaphore_mem>>) src(%dma_wait3A_40 : memref<32x768xf32, #tpu.memory_space<vmem>>) dst(%dma_wait3A_36 : memref<32x768xf32, #tpu.memory_space<hbm>>)
    %add3A_41 = arith.constant 160 : i32
    %add3A_42 = arith.addi %mul3A_2, %add3A_41 : i32
    %dma_wait3A_43 = arith.constant 2 : i32
    %dma_wait3A_44 = arith.constant 0 : i32
    %dma_wait3A_45 = arith.constant 0 : i32
    %dma_wait3A_46 = tpu.memref_slice %arg11[%dma_wait3A_43, %dma_wait3A_44, %dma_wait3A_45] : memref<3x32x256xf32, #tpu.memory_space<vmem>> -> memref<1x32x256xf32, #tpu.memory_space<vmem>>
    %dma_wait3A_47 = tpu.memref_squeeze %dma_wait3A_46 : memref<1x32x256xf32, #tpu.memory_space<vmem>> -> memref<32x256xf32, #tpu.memory_space<vmem>>
    %dma_wait3A_48 = arith.constant 0 : i32
    %dma_wait3A_49 = tpu.memref_slice %arg7[%add3A_42, %dma_wait3A_48] : memref<8192x256xf32, #tpu.memory_space<hbm>> -> memref<32x256xf32, #tpu.memory_space<hbm>>
    %dma_wait3A_50 = arith.constant 0 : i32
    %dma_wait3A_51 = tpu.memref_slice %arg7[%add3A_42, %dma_wait3A_50] : memref<8192x256xf32, #tpu.memory_space<hbm>> -> memref<32x256xf32, #tpu.memory_space<hbm>>
    %dma_wait3A_52 = arith.constant 0 : i32
    %dma_wait3A_53 = arith.constant 0 : i32
    %dma_wait3A_54 = tpu.memref_slice %arg11[%dma_wait3A_43, %dma_wait3A_52, %dma_wait3A_53] : memref<3x32x256xf32, #tpu.memory_space<vmem>> -> memref<1x32x256xf32, #tpu.memory_space<vmem>>
    %dma_wait3A_55 = tpu.memref_squeeze %dma_wait3A_54 : memref<1x32x256xf32, #tpu.memory_space<vmem>> -> memref<32x256xf32, #tpu.memory_space<vmem>>
    tpu.wait_dma2 semaphore(%arg15 : memref<!tpu.dma_semaphore, #tpu.memory_space<semaphore_mem>>) src(%dma_wait3A_55 : memref<32x256xf32, #tpu.memory_space<vmem>>) dst(%dma_wait3A_51 : memref<32x256xf32, #tpu.memory_space<hbm>>)
    %add3A_56 = arith.constant 192 : i32
    %add3A_57 = arith.addi %mul3A_2, %add3A_56 : i32
    %dma_wait3A_58 = arith.constant 0 : i32
    %dma_wait3A_59 = arith.constant 0 : i32
    %dma_wait3A_60 = arith.constant 0 : i32
    %dma_wait3A_61 = tpu.memref_slice %arg10[%dma_wait3A_58, %dma_wait3A_59, %dma_wait3A_60] : memref<3x32x768xf32, #tpu.memory_space<vmem>> -> memref<1x32x768xf32, #tpu.memory_space<vmem>>
    %dma_wait3A_62 = tpu.memref_squeeze %dma_wait3A_61 : memref<1x32x768xf32, #tpu.memory_space<vmem>> -> memref<32x768xf32, #tpu.memory_space<vmem>>
    %dma_wait3A_63 = arith.constant 0 : i32
    %dma_wait3A_64 = tpu.memref_slice %arg6[%add3A_57, %dma_wait3A_63] : memref<8192x768xf32, #tpu.memory_space<hbm>> -> memref<32x768xf32, #tpu.memory_space<hbm>>
    %dma_wait3A_65 = arith.constant 0 : i32
    %dma_wait3A_66 = tpu.memref_slice %arg6[%add3A_57, %dma_wait3A_65] : memref<8192x768xf32, #tpu.memory_space<hbm>> -> memref<32x768xf32, #tpu.memory_space<hbm>>
    %dma_wait3A_67 = arith.constant 0 : i32
    %dma_wait3A_68 = arith.constant 0 : i32
    %dma_wait3A_69 = tpu.memref_slice %arg10[%dma_wait3A_58, %dma_wait3A_67, %dma_wait3A_68] : memref<3x32x768xf32, #tpu.memory_space<vmem>> -> memref<1x32x768xf32, #tpu.memory_space<vmem>>
    %dma_wait3A_70 = tpu.memref_squeeze %dma_wait3A_69 : memref<1x32x768xf32, #tpu.memory_space<vmem>> -> memref<32x768xf32, #tpu.memory_space<vmem>>
    tpu.wait_dma2 semaphore(%arg14 : memref<!tpu.dma_semaphore, #tpu.memory_space<semaphore_mem>>) src(%dma_wait3A_70 : memref<32x768xf32, #tpu.memory_space<vmem>>) dst(%dma_wait3A_66 : memref<32x768xf32, #tpu.memory_space<hbm>>)
    %add3A_71 = arith.constant 192 : i32
    %add3A_72 = arith.addi %mul3A_2, %add3A_71 : i32
    %dma_wait3A_73 = arith.constant 0 : i32
    %dma_wait3A_74 = arith.constant 0 : i32
    %dma_wait3A_75 = arith.constant 0 : i32
    %dma_wait3A_76 = tpu.memref_slice %arg11[%dma_wait3A_73, %dma_wait3A_74, %dma_wait3A_75] : memref<3x32x256xf32, #tpu.memory_space<vmem>> -> memref<1x32x256xf32, #tpu.memory_space<vmem>>
    %dma_wait3A_77 = tpu.memref_squeeze %dma_wait3A_76 : memref<1x32x256xf32, #tpu.memory_space<vmem>> -> memref<32x256xf32, #tpu.memory_space<vmem>>
    %dma_wait3A_78 = arith.constant 0 : i32
    %dma_wait3A_79 = tpu.memref_slice %arg7[%add3A_72, %dma_wait3A_78] : memref<8192x256xf32, #tpu.memory_space<hbm>> -> memref<32x256xf32, #tpu.memory_space<hbm>>
    %dma_wait3A_80 = arith.constant 0 : i32
    %dma_wait3A_81 = tpu.memref_slice %arg7[%add3A_72, %dma_wait3A_80] : memref<8192x256xf32, #tpu.memory_space<hbm>> -> memref<32x256xf32, #tpu.memory_space<hbm>>
    %dma_wait3A_82 = arith.constant 0 : i32
    %dma_wait3A_83 = arith.constant 0 : i32
    %dma_wait3A_84 = tpu.memref_slice %arg11[%dma_wait3A_73, %dma_wait3A_82, %dma_wait3A_83] : memref<3x32x256xf32, #tpu.memory_space<vmem>> -> memref<1x32x256xf32, #tpu.memory_space<vmem>>
    %dma_wait3A_85 = tpu.memref_squeeze %dma_wait3A_84 : memref<1x32x256xf32, #tpu.memory_space<vmem>> -> memref<32x256xf32, #tpu.memory_space<vmem>>
    tpu.wait_dma2 semaphore(%arg15 : memref<!tpu.dma_semaphore, #tpu.memory_space<semaphore_mem>>) src(%dma_wait3A_85 : memref<32x256xf32, #tpu.memory_space<vmem>>) dst(%dma_wait3A_81 : memref<32x256xf32, #tpu.memory_space<hbm>>)
    %add3A_86 = arith.constant 224 : i32
    %add3A_87 = arith.addi %mul3A_2, %add3A_86 : i32
    %dma_wait3A_88 = arith.constant 1 : i32
    %dma_wait3A_89 = arith.constant 0 : i32
    %dma_wait3A_90 = arith.constant 0 : i32
    %dma_wait3A_91 = tpu.memref_slice %arg10[%dma_wait3A_88, %dma_wait3A_89, %dma_wait3A_90] : memref<3x32x768xf32, #tpu.memory_space<vmem>> -> memref<1x32x768xf32, #tpu.memory_space<vmem>>
    %dma_wait3A_92 = tpu.memref_squeeze %dma_wait3A_91 : memref<1x32x768xf32, #tpu.memory_space<vmem>> -> memref<32x768xf32, #tpu.memory_space<vmem>>
    %dma_wait3A_93 = arith.constant 0 : i32
    %dma_wait3A_94 = tpu.memref_slice %arg6[%add3A_87, %dma_wait3A_93] : memref<8192x768xf32, #tpu.memory_space<hbm>> -> memref<32x768xf32, #tpu.memory_space<hbm>>
    %dma_wait3A_95 = arith.constant 0 : i32
    %dma_wait3A_96 = tpu.memref_slice %arg6[%add3A_87, %dma_wait3A_95] : memref<8192x768xf32, #tpu.memory_space<hbm>> -> memref<32x768xf32, #tpu.memory_space<hbm>>
    %dma_wait3A_97 = arith.constant 0 : i32
    %dma_wait3A_98 = arith.constant 0 : i32
    %dma_wait3A_99 = tpu.memref_slice %arg10[%dma_wait3A_88, %dma_wait3A_97, %dma_wait3A_98] : memref<3x32x768xf32, #tpu.memory_space<vmem>> -> memref<1x32x768xf32, #tpu.memory_space<vmem>>
    %dma_wait3A_100 = tpu.memref_squeeze %dma_wait3A_99 : memref<1x32x768xf32, #tpu.memory_space<vmem>> -> memref<32x768xf32, #tpu.memory_space<vmem>>
    tpu.wait_dma2 semaphore(%arg14 : memref<!tpu.dma_semaphore, #tpu.memory_space<semaphore_mem>>) src(%dma_wait3A_100 : memref<32x768xf32, #tpu.memory_space<vmem>>) dst(%dma_wait3A_96 : memref<32x768xf32, #tpu.memory_space<hbm>>)
    %add3A_101 = arith.constant 224 : i32
    %add3A_102 = arith.addi %mul3A_2, %add3A_101 : i32
    %dma_wait3A_103 = arith.constant 1 : i32
    %dma_wait3A_104 = arith.constant 0 : i32
    %dma_wait3A_105 = arith.constant 0 : i32
    %dma_wait3A_106 = tpu.memref_slice %arg11[%dma_wait3A_103, %dma_wait3A_104, %dma_wait3A_105] : memref<3x32x256xf32, #tpu.memory_space<vmem>> -> memref<1x32x256xf32, #tpu.memory_space<vmem>>
    %dma_wait3A_107 = tpu.memref_squeeze %dma_wait3A_106 : memref<1x32x256xf32, #tpu.memory_space<vmem>> -> memref<32x256xf32, #tpu.memory_space<vmem>>
    %dma_wait3A_108 = arith.constant 0 : i32
    %dma_wait3A_109 = tpu.memref_slice %arg7[%add3A_102, %dma_wait3A_108] : memref<8192x256xf32, #tpu.memory_space<hbm>> -> memref<32x256xf32, #tpu.memory_space<hbm>>
    %dma_wait3A_110 = arith.constant 0 : i32
    %dma_wait3A_111 = tpu.memref_slice %arg7[%add3A_102, %dma_wait3A_110] : memref<8192x256xf32, #tpu.memory_space<hbm>> -> memref<32x256xf32, #tpu.memory_space<hbm>>
    %dma_wait3A_112 = arith.constant 0 : i32
    %dma_wait3A_113 = arith.constant 0 : i32
    %dma_wait3A_114 = tpu.memref_slice %arg11[%dma_wait3A_103, %dma_wait3A_112, %dma_wait3A_113] : memref<3x32x256xf32, #tpu.memory_space<vmem>> -> memref<1x32x256xf32, #tpu.memory_space<vmem>>
    %dma_wait3A_115 = tpu.memref_squeeze %dma_wait3A_114 : memref<1x32x256xf32, #tpu.memory_space<vmem>> -> memref<32x256xf32, #tpu.memory_space<vmem>>
    tpu.wait_dma2 semaphore(%arg15 : memref<!tpu.dma_semaphore, #tpu.memory_space<semaphore_mem>>) src(%dma_wait3A_115 : memref<32x256xf32, #tpu.memory_space<vmem>>) dst(%dma_wait3A_111 : memref<32x256xf32, #tpu.memory_space<hbm>>)
    return
  }
}

module attributes {stable_mosaic.version = 14 : i64} {
  func.func @_tc_body(%arg0: i32, %arg1: i32, %arg2: memref<2048x768xf32, #tpu.memory_space<vmem>>, %arg3: memref<2048x256xf32, #tpu.memory_space<vmem>>, %arg4: memref<2048x768xf32, #tpu.memory_space<vmem>>, %arg5: memref<1x1x2048xf32, #tpu.memory_space<vmem>>, %arg6: memref<2x768xf32, #tpu.memory_space<vmem>>, %arg7: memref<1x768xf32, #tpu.memory_space<vmem>>, %arg8: memref<1x768xf32, #tpu.memory_space<vmem>>, %arg9: memref<2048x768xf32, #tpu.memory_space<vmem>>) attributes {dimension_semantics = [#tpu.dimension_semantics<arbitrary>, #tpu.dimension_semantics<arbitrary>], iteration_bounds = array<i64: 1, 4>, scalar_prefetch = 0 : i64, scratch_operands = 0 : i64, tpu.core_type = #tpu.core_type<tc>, window_params = [{transform_indices = @transform_0, window_bounds = array<i64: 2048, 768>}, {transform_indices = @transform_1, window_bounds = array<i64: 2048, 256>}, {transform_indices = @transform_2, window_bounds = array<i64: 2048, 768>}, {transform_indices = @transform_3, window_bounds = array<i64: 1, 1, 2048>}, {pipeline_mode = #tpu.pipeline_mode<synchronous>, transform_indices = @transform_4, window_bounds = array<i64: 2, 768>}, {pipeline_mode = #tpu.pipeline_mode<synchronous>, transform_indices = @transform_5, window_bounds = array<i64: 1, 768>}, {pipeline_mode = #tpu.pipeline_mode<synchronous>, transform_indices = @transform_6, window_bounds = array<i64: 1, 768>}, {transform_indices = @transform_7, window_bounds = array<i64: 2048, 768>}]} {
    %get3A = arith.constant 0 : index
    %get3A_0 = arith.constant 0 : index
    %get3A_1 = vector.load %arg2[%get3A, %get3A_0] : memref<2048x768xf32, #tpu.memory_space<vmem>>, vector<2048x768xf32>
    %get3A_2 = arith.constant 0 : index
    %get3A_3 = arith.constant 0 : index
    %get3A_4 = vector.load %arg3[%get3A_2, %get3A_3] : memref<2048x256xf32, #tpu.memory_space<vmem>>, vector<2048x256xf32>
    %get3A_5 = arith.constant 0 : index
    %get3A_6 = arith.constant 0 : index
    %get3A_7 = vector.load %arg4[%get3A_5, %get3A_6] : memref<2048x768xf32, #tpu.memory_space<vmem>>, vector<2048x768xf32>
    %get3A_8 = arith.constant 0 : index
    %get3A_9 = arith.constant 0 : index
    %get3A_10 = arith.constant 0 : index
    %get3A_11 = vector.load %arg5[%get3A_8, %get3A_9, %get3A_10] : memref<1x1x2048xf32, #tpu.memory_space<vmem>>, vector<1x1x2048xf32>
    %get3A_12 = vector.shape_cast %get3A_11 : vector<1x1x2048xf32> to vector<1x2048xf32>
    %transpose3A = tpu.transpose %get3A_12, [1, 0] : vector<1x2048xf32> -> vector<2048x1xf32>
    %get3A_13 = arith.constant 0 : index
    %get3A_14 = arith.constant 0 : index
    %get3A_15 = vector.load %arg6[%get3A_13, %get3A_14] : memref<2x768xf32, #tpu.memory_space<vmem>>, vector<1x768xf32>
    %get3A_16 = arith.constant 1 : index
    %get3A_17 = arith.constant 0 : index
    %get3A_18 = vector.load %arg6[%get3A_16, %get3A_17] : memref<2x768xf32, #tpu.memory_space<vmem>>, vector<1x768xf32>
    %sub3A = arith.subf %get3A_18, %get3A_15 : vector<1x768xf32>
    %add3A = arith.addf %get3A_1, %get3A_7 : vector<2048x768xf32>
    %mul3A = vector.broadcast %transpose3A : vector<2048x1xf32> to vector<2048x768xf32>
    %mul3A_19 = vector.broadcast %sub3A : vector<1x768xf32> to vector<2048x768xf32>
    %mul3A_20 = arith.mulf %mul3A, %mul3A_19 : vector<2048x768xf32>
    %add3A_21 = vector.broadcast %get3A_15 : vector<1x768xf32> to vector<2048x768xf32>
    %add3A_22 = arith.addf %add3A_21, %mul3A_20 : vector<2048x768xf32>
    %add3A_23 = arith.addf %add3A, %add3A_22 : vector<2048x768xf32>
    %concatenate3A = tpu.concatenate %get3A_4, %get3A_4, %get3A_4 in 1 : vector<2048x256xf32>, vector<2048x256xf32>, vector<2048x256xf32> -> vector<2048x768xf32>
    %add3A_24 = arith.addf %add3A_23, %concatenate3A : vector<2048x768xf32>
    %reduce_sum3A = arith.constant dense<0.000000e+00> : vector<2048xf32>
    %reduce_sum3A_25 = vector.multi_reduction <add>, %add3A_24, %reduce_sum3A [1] : vector<2048x768xf32> to vector<2048xf32>
    %broadcast_in_dim3A = vector.shape_cast %reduce_sum3A_25 : vector<2048xf32> to vector<2048x1xf32>
    %div3A = arith.constant 7.680000e+02 : f32
    %div3A_26 = vector.broadcast %div3A : f32 to vector<2048x1xf32>
    %div3A_27 = arith.divf %broadcast_in_dim3A, %div3A_26 : vector<2048x1xf32>
    %sub3A_28 = vector.broadcast %div3A_27 : vector<2048x1xf32> to vector<2048x768xf32>
    %sub3A_29 = arith.subf %add3A_24, %sub3A_28 : vector<2048x768xf32>
    %mul3A_30 = arith.mulf %sub3A_29, %sub3A_29 : vector<2048x768xf32>
    %reduce_sum3A_31 = arith.constant dense<0.000000e+00> : vector<2048xf32>
    %reduce_sum3A_32 = vector.multi_reduction <add>, %mul3A_30, %reduce_sum3A_31 [1] : vector<2048x768xf32> to vector<2048xf32>
    %broadcast_in_dim3A_33 = vector.shape_cast %reduce_sum3A_32 : vector<2048xf32> to vector<2048x1xf32>
    %div3A_34 = arith.constant 7.680000e+02 : f32
    %div3A_35 = vector.broadcast %div3A_34 : f32 to vector<2048x1xf32>
    %div3A_36 = arith.divf %broadcast_in_dim3A_33, %div3A_35 : vector<2048x1xf32>
    %add3A_37 = arith.constant 9.99999996E-13 : f32
    %add3A_38 = vector.broadcast %add3A_37 : f32 to vector<2048x1xf32>
    %add3A_39 = arith.addf %div3A_36, %add3A_38 : vector<2048x1xf32>
    %rsqrt3A = math.rsqrt %add3A_39 : vector<2048x1xf32>
    %mul3A_40 = vector.broadcast %rsqrt3A : vector<2048x1xf32> to vector<2048x768xf32>
    %mul3A_41 = arith.mulf %sub3A_29, %mul3A_40 : vector<2048x768xf32>
    %get3A_42 = arith.constant 0 : index
    %get3A_43 = arith.constant 0 : index
    %get3A_44 = vector.load %arg7[%get3A_42, %get3A_43] : memref<1x768xf32, #tpu.memory_space<vmem>>, vector<1x768xf32>
    %mul3A_45 = vector.broadcast %get3A_44 : vector<1x768xf32> to vector<2048x768xf32>
    %mul3A_46 = arith.mulf %mul3A_41, %mul3A_45 : vector<2048x768xf32>
    %get3A_47 = arith.constant 0 : index
    %get3A_48 = arith.constant 0 : index
    %get3A_49 = vector.load %arg8[%get3A_47, %get3A_48] : memref<1x768xf32, #tpu.memory_space<vmem>>, vector<1x768xf32>
    %add3A_50 = vector.broadcast %get3A_49 : vector<1x768xf32> to vector<2048x768xf32>
    %add3A_51 = arith.addf %mul3A_46, %add3A_50 : vector<2048x768xf32>
    %swap3A = arith.constant 0 : index
    %swap3A_52 = arith.constant 0 : index
    %swap3A_53 = vector.load %arg9[%swap3A, %swap3A_52] : memref<2048x768xf32, #tpu.memory_space<vmem>>, vector<2048x768xf32>
    tpu.vector_store %arg9[%swap3A, %swap3A_52], %add3A_51 {strides = array<i32>} : memref<2048x768xf32, #tpu.memory_space<vmem>>, vector<2048x768xf32>,
    return
  }
  func.func @transform_0(%arg0: i32, %arg1: i32) -> (i32, i32) {
    %mul3A = arith.constant 1 : i32
    %mul3A_0 = arith.muli %arg1, %mul3A : i32
    %add3A = arith.addi %mul3A_0, %arg0 : i32
    %c0_i32 = arith.constant 0 : i32
    %c0_i32_1 = arith.constant 0 : i32
    return %add3A, %c0_i32 : i32, i32
  }
  func.func @transform_1(%arg0: i32, %arg1: i32) -> (i32, i32) {
    %mul3A = arith.constant 1 : i32
    %mul3A_0 = arith.muli %arg1, %mul3A : i32
    %add3A = arith.addi %mul3A_0, %arg0 : i32
    %c0_i32 = arith.constant 0 : i32
    %c0_i32_1 = arith.constant 0 : i32
    return %add3A, %c0_i32 : i32, i32
  }
  func.func @transform_2(%arg0: i32, %arg1: i32) -> (i32, i32) {
    %c0_i32 = arith.constant 0 : i32
    %c0_i32_0 = arith.constant 0 : i32
    return %arg0, %c0_i32 : i32, i32
  }
  func.func @transform_3(%arg0: i32, %arg1: i32) -> (i32, i32, i32) {
    %mul3A = arith.constant 1 : i32
    %mul3A_0 = arith.muli %arg1, %mul3A : i32
    %add3A = arith.addi %mul3A_0, %arg0 : i32
    %c0_i32 = arith.constant 0 : i32
    %c0_i32_1 = arith.constant 0 : i32
    %c0_i32_2 = arith.constant 0 : i32
    return %add3A, %c0_i32, %c0_i32_1 : i32, i32, i32
  }
  func.func @transform_4(%arg0: i32, %arg1: i32) -> (i32, i32) {
    %c0_i32 = arith.constant 0 : i32
    %c0_i32_0 = arith.constant 0 : i32
    %c0_i32_1 = arith.constant 0 : i32
    return %c0_i32, %c0_i32_0 : i32, i32
  }
  func.func @transform_5(%arg0: i32, %arg1: i32) -> (i32, i32) {
    %c0_i32 = arith.constant 0 : i32
    %c0_i32_0 = arith.constant 0 : i32
    %c0_i32_1 = arith.constant 0 : i32
    return %c0_i32, %c0_i32_0 : i32, i32
  }
  func.func @transform_6(%arg0: i32, %arg1: i32) -> (i32, i32) {
    %c0_i32 = arith.constant 0 : i32
    %c0_i32_0 = arith.constant 0 : i32
    %c0_i32_1 = arith.constant 0 : i32
    return %c0_i32, %c0_i32_0 : i32, i32
  }
  func.func @transform_7(%arg0: i32, %arg1: i32) -> (i32, i32) {
    %mul3A = arith.constant 1 : i32
    %mul3A_0 = arith.muli %arg1, %mul3A : i32
    %add3A = arith.addi %mul3A_0, %arg0 : i32
    %c0_i32 = arith.constant 0 : i32
    %c0_i32_1 = arith.constant 0 : i32
    return %add3A, %c0_i32 : i32, i32
  }
}

</mosaic_0001>

<sc_bundles>
// kernel: kernel.4.cloned.1.call-start
scs
__scs_entry_jumppad:
0x0: {  	(pc) =	sbr.rel $0x88, $3  }
0x1: {  	(tag) =	ssettag $0x0;
	lr =	simm.s32 $0x1  }
0x2: {  	[smem:$0x3F9A] =	sst lr;
	_ =	strace $0xD0000000  }
0x3: {  	_ = 	snop  }
0x4: {  	_ = 	snop  }
0x5: {  	_ = 	snop  }
0x6: {  	_ = 	snop  }
0x7: {  	_ = 	snop  }
__scs_overlays_trampoline_lowered:
0x8: {  	[smem:$0x3FA9] =	sst s0  }
0x9: {  	[smem:$0x3FAA] =	sst s1  }
0xa: {  	[smem:$0x3FAB] =	sst s2  }
0xb: {  	[smem:$0x3FAC] =	sst s3  }
0xc: {  	[smem:$0x3FAD] =	sst s4  }
0xd: {  	[smem:$0x3FAE] =	sst s5  }
0xe: {  	[smem:$0x3FAF] =	sst s6  }
0xf: {  	[smem:$0x3FB0] =	sst s7  }
0x10: {  	[smem:$0x3FB1] =	sst s8  }
0x11: {  	[smem:$0x3FB2] =	sst s9;
	s0 =	simm.s32 @!p0 $0x0  }
0x12: {  	s1 =	sld [smem:$0x3F98];
	s0 =	simm.s32 @p0 $0x1  }
0x13: {  	[smem:$0x3FB3] =	sst s0;
	s0 =	simm.s32 @!p1 $0x0  }
0x14: {  	s2 =	sld [smem:$0x3F97];
	s0 =	simm.s32 @p1 $0x1  }
0x15: {  	[smem:$0x3FB4] =	sst s0;
	s0 =	simm.s32 @!p2 $0x0  }
0x16: {  	s3 =	sld [smem:$0x3FDB];
	s0 =	simm.s32 @p2 $0x1  }
0x17: {  	s4 =	simm.s32 $0x1BF5;
	[smem:$0x3FB6] =	sst s0  }
0x18: {  	s0 =	sld [smem:$0x3F99];
	_ =	swait.ge [sflag:s4], $0x0  }
0x19: {  	s7 =	sld [smem:$0x3F9A]  }
0x1a: {  	s8 =	sadd.s32 $0xFFFFE003, lr  }
0x1b: {  	s9 =	sadd.s32 $0xFFFFFEF7, lr;
	s5 =	simm.s32 $0xFFFFFFFF;
	p2 =	slt.u32 s8, $0xFFFFF086  }
0x1c: {  	p1 =	slt.u32 s9, $0xF7A;
	s5 =	simm.s32 @!p2 $0x0  }
0x1d: {  	s5 =	simm.s32 @p1 $0x1;
	p0 =	seq.s32 s7, s2  }
0x1e: {  	s7 =	smul.u32 @!p0 $0xF7A, s2;
	p2 =	seq.s32 @!p0 s5, $0x0  }
0x1f: {  	s9 =	smul.u32 $0xF7A, s1;
	s8 =	simm.s32 @!p0 $0x1BF5;
	p2 =	por !p2, p0  }
0x20: {  	[sflag:s8] =	ssyncset.s32 @!p0 $0xFFFFF086;
	s6 =	sadd.s32 @!p0 s3, s7;
	s7 =	simm.s32 @!p0 $0x108  }
0x21: {  	s3 =	sadd.s32 s3, s9;
	s6 =	sadd.s32 @!p0 $0x88, s6;
	s7 =	simm.s32 @p2 $0x1082  }
0x22: {  	[simem:s7], [sflag:s8] =	dma.local @!p0 [hbm:s6], $0xF7A  }
0x23: {  	s9 =	sor.u32 $0xD0000000, s2;
	s6 =	simm.s32 $0x108;
	_ =	swait.ge @!p0 [sflag:s8], $0x0  }
0x24: {  	s3 =	sadd.s32 $0x88, s3;
	s6 =	simm.s32 @!p1 $0x1082;
	[sflag:s4] =	ssyncset.s32 $0xFFFFF086  }
0x25: {  	[simem:s6], [sflag:s4] =	dma.local [hbm:s3], $0xF7A  }
0x26: {  	[smem:$0x3F9A] =	sst s1;
	(tag) =	ssettag s2;
	_ =	strace s9  }
0x27: {  	s1 =	sld [smem:$0x3FAA]  }
0x28: {  	s2 =	sld [smem:$0x3FAB]  }
0x29: {  	s4 =	sld [smem:$0x3FAD]  }
0x2a: {  	p0 =	seq.s32 s5, $0x0;
	s5 =	sld [smem:$0x3FAE]  }
0x2b: {  	s6 =	sld [smem:$0x3FAF]  }
0x2c: {  	s7 =	sld [smem:$0x3FB0]  }
0x2d: {  	s3 =	simm.s32 $0x108;
	s8 =	sld [smem:$0x3FB1]  }
0x2e: {  	s3 =	simm.s32 @!p0 $0x1082;
	s9 =	sld [smem:$0x3FB2]  }
0x2f: {  	lr =	sadd.s32 s0, s3;
	s0 =	sld [smem:$0x3FA9]  }
0x30: {  	s3 =	sld [smem:$0x3FAC]  }
0x31: {  	[smem:$0x3FB5] =	sst s10  }
0x32: {  	s10 =	sld [smem:$0x3FB3];
	_ =	sdelay $0x3  }
0x33: {  	p0 =	seq.s32 s10, $0x1;
	s10 =	sld [smem:$0x3FB5];
	_ =	sdelay $0x3  }
0x34: {  	[smem:$0x3FB5] =	sst s10  }
0x35: {  	s10 =	sld [smem:$0x3FB4];
	_ =	sdelay $0x3  }
0x36: {  	p1 =	seq.s32 s10, $0x1;
	s10 =	sld [smem:$0x3FB5];
	_ =	sdelay $0x3  }
0x37: {  	[smem:$0x3FB5] =	sst s10  }
0x38: {  	s10 =	sld [smem:$0x3FB6]  }
0x39: {  	_ = 	snop;
	(pc) =	sbr.ind lr, $3  }
0x3a: {  	_ = 	snop  }
0x3b: {  	_ = 	snop  }
0x3c: {  	p2 =	seq.s32 s10, $0x1;
	s10 =	sld [smem:$0x3FB5]  }
0x3d: {  	_ =	shalt  }
0x3e: {  	_ =	shalt  }
0x3f: {  	_ =	shalt  }
0x40: {  	_ =	shalt  }
0x41: {  	_ =	shalt  }
0x42: {  	_ =	shalt  }
0x43: {  	_ =	shalt  }
0x44: {  	_ =	shalt  }
0x45: {  	_ =	shalt  }
0x46: {  	_ =	shalt  }
0x47: {  	_ =	shalt  }
0x48: {  	_ =	shalt  }
0x49: {  	_ =	shalt  }
0x4a: {  	_ =	shalt  }
0x4b: {  	_ =	shalt  }
0x4c: {  	_ =	shalt  }
0x4d: {  	_ =	shalt  }
0x4e: {  	_ =	shalt  }
0x4f: {  	_ =	shalt  }
0x50: {  	_ =	shalt  }
0x51: {  	_ =	shalt  }
0x52: {  	_ =	shalt  }
0x53: {  	_ =	shalt  }
0x54: {  	_ =	shalt  }
0x55: {  	_ =	shalt  }
0x56: {  	_ =	shalt  }
0x57: {  	_ =	shalt  }
0x58: {  	_ =	shalt  }
0x59: {  	_ =	shalt  }
0x5a: {  	_ =	shalt  }
0x5b: {  	_ =	shalt  }
0x5c: {  	_ =	shalt  }
0x5d: {  	_ =	shalt  }
0x5e: {  	_ =	shalt  }
0x5f: {  	_ =	shalt  }
0x60: {  	_ =	shalt  }
0x61: {  	_ =	shalt  }
0x62: {  	_ =	shalt  }
0x63: {  	_ =	shalt  }
0x64: {  	_ =	shalt  }
0x65: {  	_ =	shalt  }
0x66: {  	_ =	shalt  }
0x67: {  	_ =	shalt  }
0x68: {  	_ =	shalt  }
0x69: {  	_ =	shalt  }
0x6a: {  	_ =	shalt  }
0x6b: {  	_ =	shalt  }
0x6c: {  	_ =	shalt  }
0x6d: {  	_ =	shalt  }
0x6e: {  	_ =	shalt  }
0x6f: {  	_ =	shalt  }
0x70: {  	_ =	shalt  }
0x71: {  	_ =	shalt  }
0x72: {  	_ =	shalt  }
0x73: {  	_ =	shalt  }
0x74: {  	_ =	shalt  }
0x75: {  	_ =	shalt  }
0x76: {  	_ =	shalt  }
0x77: {  	_ =	shalt  }
0x78: {  	_ =	shalt  }
0x79: {  	_ =	shalt  }
0x7a: {  	_ =	shalt  }
0x7b: {  	_ =	shalt  }
0x7c: {  	_ =	shalt  }
0x7d: {  	_ =	shalt  }
0x7e: {  	_ =	shalt  }
0x7f: {  	_ =	shalt  }
0x80: {  	_ =	shalt  }
0x81: {  	_ =	shalt  }
0x82: {  	_ =	shalt  }
0x83: {  	_ =	shalt  }
0x84: {  	_ =	shalt  }
0x85: {  	_ =	shalt  }
0x86: {  	_ =	shalt  }
0x87: {  	_ =	shalt  }
.Lfunc_end0:
.L_simem_size_0:
called_computation_lowered:
.L_overlay_start_0:
0x88: {  	s2 =	sld [smem:$0x3FD9]  }
0x89: {  	s3 =	sld [smem:$0x3FFE];
	_ =	sdelay $0x1  }
0x8a: {  	s1 =	srdreg.scid  }
0x8b: {  	s0 =	sand.u32 $0x1, s1  }
0x8c: {  	s17 =	sshll.u32 s0, $0xA;
	s2 =	sadd.s32 s3, s2  }
0x8d: {  	s2 =	sadd.s32 s2, s17  }
0x8e: {  	[smem:$0x3FC1] =	sst s2  }
0x8f: {  	_ = 	snop  }
0x90: {  	s2 =	sld [smem:$0x3FC6]  }
0x91: {  	s18 =	sld [smem:$0x3FD0];
	(tm) =	ssettm $0x1  }
0x92: {  	s4 =	sld [smem:$0x3FFB];
	_ =	sdelay $0x3  }
0x93: {  	_ =	strace s4  }
0x94: {  	s4 =	sld [smem:$0x3FFC];
	_ =	sdelay $0x3  }
0x95: {  	_ =	strace s4  }
0x96: {  	s4 =	sld [smem:$0x3FFD];
	_ =	sdelay $0x3  }
0x97: {  	_ =	strace s4  }
0x98: {  	_ =	strace $0x8FFFFFFF  }
0x99: {  	s19 =	sld [smem:$0x3FDB];
	_ =	sdelay $0x1  }
0x9a: {  	s5 =	simm.s32 $_scs_section_size  }
0x9b: {  	s6 =	simm.s32 $_size__tile_overlayer_lowered;
	s7 =	simm.s32 $_tile_overlayer_lowered  }
0x9c: {  	s22 =	simm.s32 $0x1BFF;
	s21 =	sshll.u32 s7, $0x1;
	s4 =	sadd.s32 s5, s19  }
0x9d: {  	s8 =	simm.s32 $0x0;
	s20 =	sshll.u32 s6, $0x1;
	s6 =	sadd.s32 s21, s4  }
0x9e: {  	[timem:s8], [sflag:s22] =	dma.local [hbm:s6], s20  }
0x9f: {  	_ =	swait.ge [sflag:s22], s20  }
0xa0: {  	s5 =	ssub.s32 $0x0, s20;
	[sflag:s22] =	ssyncset.done $0x0  }
0xa1: {  	[sflag:s22] =	ssyncadd.s32 s5;
	_ =	sdelay $0x1  }
0xa2: {  	s23 =	simm.s32 $0x1B8B  }
0xa3: {  	_ =	swait.ge [sflag:s23], $0x1  }
0xa4: {  	[sflag:s23] =	ssyncset.done $0x0  }
0xa5: {  	s25 =	simm.s32 $0x1B8E;
	s24 =	sld [smem:$0x3FFE];
	[sflag:s23] =	ssyncadd.s32 $0xFFFFFFFF  }
0xa6: {  	s26 =	simm.s32 $execute0_lowered;
	[smem:$0x3FD2] =	sst s25  }
0xa7: {  	s6 =	sshll.u32 s26, $0x1;
	_ =	strace $0x80000046;
	[dreg:$0x1] =	wrdreg $0xFFFFFFFF  }
0xa8: {  	s28 =	simm.s32 $_size_execute0_lowered;
	s4 =	sadd.s32 s4, s6;
	[dreg:$0x0] =	wrdreg $0x0  }
0xa9: {  	s6 =	sshll.u32 s28, $0x1;
	[dreg:$0x2] =	wrdreg s4  }
0xaa: {  	[dreg:$0x3] =	wrdreg s6  }
0xab: {  	[dreg:$0x4] =	wrdreg $0xC0  }
0xac: {  	_ =	task [dreg:s8], $0x5FFFF  }
0xad: {  	[dreg:$0x1] =	wrdreg $0xFFFFFFFF  }
0xae: {  	[dreg:$0x0] =	wrdreg $0x60  }
0xaf: {  	[dreg:$0x2] =	wrdreg s24  }
0xb0: {  	[dreg:$0x3] =	wrdreg s2  }
0xb1: {  	[dreg:$0x4] =	wrdreg s18  }
0xb2: {  	[dreg:$0x5] =	wrdreg $0x9  }
0xb3: {  	_ =	task.clear_ibuf [dreg:s8], $0x6FFFF;
	_ =	strace $0x90000046  }
0xb4: {  	s29 =	simm.s32 $0x9;
	_ =	strace $0x80000048  }
0xb5: {  	_ =	swait.ge [sflag:s29], $0x1  }
0xb6: {  	[sflag:s29] =	ssyncadd.s32 $0xFFFFFFFF  }
0xb7: {  	_ =	strace $0x90000048  }
0xb8: {  	_ =	sfence  }
0xb9: {  	s30 =	sld [smem:$0x0];
	_ =	sdelay $0x2  }
0xba: {  	s31 =	sshll.u32 s1, $0xD;
	s1 =	sshrl.u32 s1, $0x2  }
0xbb: {  	s3 =	sand.u32 $0x4000, s31;
	s1 =	sadd.s32 s1, s30  }
0xbc: {  	s0 =	sor.u32 s3, s0;
	s1 =	sshll.u32 s1, $0x11  }
0xbd: {  	s0 =	sor.u32 s1, s0  }
0xbe: {  	s0 =	sadd.s32 $0x8F2B, s0  }
0xbf: {  	[sflag:s0] =	ssyncadd.remote.s32 $0x1  }
0xc0: {  	_ =	sfence.sel $0xFFFF  }
0xc1: {  	[dreg:$0x0] =	wrdreg $0xFFFFFFFF;
	(pc) =	sbr.abs _section_cstart, $3  }
0xc2: {  	[dreg:$0x1] =	wrdreg $0xFFFFFFFF  }
0xc3: {  	_ =	task.clear_ibuf [dreg:s8], $0x2FFFF;
	_ =	strace $0x9FFFFFFF  }
0xc4: {  	(tm) =	ssettm $0x7FFFFFFF  }
0xc5: {  	_ =	shalt  }
tec
execute0_lowered:
.L_overlay_start_1:
0x0: {  	(tag) =	ssettag $0x1  }
0x1: {  	s0 =	srdreg.scid;
	s1 =	rddreg [dreg:$0x0]  }
0x2: {  	s10 =	stileid.u32;
	s2 =	rddreg [dreg:$0x1]  }
0x3: {  	s8 =	rddreg [dreg:$0x2];
	s12 =	simm.s32 $0x5;
	s24 =	simm.s32 $0x5200  }
0x4: {  	s25 =	simm.s32 $0x5A00;
	s26 =	simm.s32 $0x12200;
	s28 =	simm.s32 $0x12A00  }
0x5: {  	s29 =	simm.s32 $0x13200;
	s30 =	simm.s32 $0x13A00;
	s31 =	simm.s32 $0x1  }
0x6: {  	s13 =	simm.s32 $0x4;
	s14 =	simm.s32 $0x0;
	s0 =	sand.u32 $0x1, s0  }
0x7: {  	s3 =	sshll.u32 s10, $0x9;
	s10 =	sshll.u32 s10, $0xE;
	s4 =	sshll.u32 s0, $0x8  }
0x8: {  	s6 =	ssub.s32 $0x2, s0;
	s10 =	sadd.s32 s10, s8;
	s0 =	sshll.u32 s0, $0xD  }
0x9: {  	s8 =	sadd.s32 $0x200, s2;
	s4 =	sor.u32 s4, s3;
	s3 =	simm.s32 $0x0  }
0xa: {  	s9 =	sshrl.u32 s6, $0x1;
	s18 =	sadd.s32 s0, s10;
	s0 =	simm.s32 $0x3  }
.Ltmp0:
0xb: {  	s4 =	sshrl.u32 s4, $0x3;
	[smem:$0x7FF] =	sst s3;
	(pc) =	sbr.rel .LBB2_1-.Ltmp0, $4  }
0xc: {  	s9 =	ssub.s32 s6, s9;
	s5 =	smul.u32 $0x300, s4;
	_ =	strace $0x80000047  }
0xd: {  	v2 =	vlaneseq.u32;
	s7 =	sadd.s32 s4, s1;
	s4 =	sadd.s32 $0x1C00, s1;
	s9 =	smax.u32 s9, $0x1  }
0xe: {  	vm0 =	vmmov $0xffff;
	v1 =	vshrl.u32 v2, $0x3;
	s6 =	sadd.s32 $0x1800, s7;
	s1 =	sadd.s32 s5, s1;
	s5 =	sadd.s32 $0x1400, s7  }
0xf: {  	v0 =	vand.u32 $0x7, v2;
	v2 =	vor.u32 $0x8, v2;
	v1 =	vmul.u32 $0x8, v1;
	s7 =	sadd.s32 $0x100, s2;
	s17 =	sadd.s32 $0x11C00, s1;
	s1 =	simm.s32 $0x2  }
.LBB2_5:
0x10: {  	_ =	swait.ge [sflag:s0], $0x6000  }
0x11: {  	[sflag:s0] =	ssyncset.done $0x0  }
0x12: {  	[sflag:s0] =	ssyncadd.s32 $0xFFFFA000  }
0x13: {  	_ =	swait.ge [sflag:s13], $0x2000  }
0x14: {  	[sflag:s13] =	ssyncset.done $0x0  }
0x15: {  	[sflag:s13] =	ssyncadd.s32 $0xFFFFE000  }
0x16: {  	_ =	swait.ge [sflag:s0], $0x6000  }
0x17: {  	[sflag:s0] =	ssyncset.done $0x0  }
0x18: {  	[sflag:s0] =	ssyncadd.s32 $0xFFFFA000  }
0x19: {  	_ =	swait.ge [sflag:s13], $0x2000  }
0x1a: {  	[sflag:s13] =	ssyncset.done $0x0  }
0x1b: {  	s14 =	sadd.s32 $0x1, s14;
	[sflag:s13] =	ssyncadd.s32 $0xFFFFE000  }
0x1c: {  	p0 =	sne.s32 s14, s9;
	_ =	swait.ge [sflag:s0], $0x6000  }
.Ltmp1:
0x1d: {  	[sflag:s0] =	ssyncset.done $0x0;
	(pc) =	sbr.rel @!p0 .LBB2_6-.Ltmp1, $4  }
0x1e: {  	[sflag:s0] =	ssyncadd.s32 $0xFFFFA000  }
0x1f: {  	_ =	swait.ge [sflag:s13], $0x2000  }
0x20: {  	[sflag:s13] =	ssyncset.done $0x0  }
0x21: {  	[sflag:s13] =	ssyncadd.s32 $0xFFFFE000  }
.LBB2_1:
0x22: {  	[tilespmem:s3], [sflag:$0x5] =	stream.linear.gather [hbm4b:s5+s3], $0x100, $0x38;
	[tilespmem:$0x18200] =	vst v63  }
0x23: {  	_ =	swait.ge [sflag:s12], $0x100  }
0x24: {  	[sflag:s12] =	ssyncset.done $0x0  }
0x25: {  	s10 =	simm.s32 $0x100;
	[sflag:s12] =	ssyncadd.s32 $0xFFFFFF00  }
0x26: {  	[tilespmem:s10], [sflag:$0x5] =	stream.linear.gather [hbm4b:s6+s3], $0x100, $0x38;
	[tilespmem:$0x18200] =	vst v63  }
0x27: {  	_ =	swait.ge [sflag:s12], $0x100  }
0x28: {  	[sflag:s12] =	ssyncset.done $0x0  }
0x29: {  	[sflag:s12] =	ssyncadd.s32 $0xFFFFFF00  }
0x2a: {  	v3 =	vld [tilespmem:$0x0];
	_ =	sdelay $0x4  }
0x2b: {  	v4 =	vshrl.u32 v3, $0x3  }
0x2c: {  	v4 =	vmul.u32 $0x30, v4  }
0x2d: {  	v3 =	vand.u32 $0x7, v3  }
0x2e: {  	v3 =	vor.u32 v3, v4  }
0x2f: {  	v4 =	vperm.xlane v3, v0;
	_ =	sdelay $0x1  }
0x30: {  	v4 =	vadd.s32 v1, v4;
	_ =	sdelay $0x3  }
0x31: {  	s22 =	simm.s32 $0x200;
	v3 =	vperm.xlane v3, v2  }
0x32: {  	[tilespmem:s22], [sflag:$0x1] =	stream.indirect_vreg.gather [hbm4b:s2+s3], $0x80, v4, vm0, $0xb8;
	[tilespmem:$0x18200] =	vst v63  }
0x33: {  	s23 =	simm.s32 $0xA00;
	v3 =	vadd.s32 v1, v3  }
0x34: {  	[tilespmem:s23], [sflag:$0x1] =	stream.indirect_vreg.gather [hbm4b:s7+s3], $0x80, v4, vm0, $0xb8;
	[tilespmem:$0x18200] =	vst v63  }
0x35: {  	s11 =	simm.s32 $0x1200  }
0x36: {  	[tilespmem:s11], [sflag:$0x1] =	stream.indirect_vreg.gather [hbm4b:s8+s3], $0x80, v4, vm0, $0xb8;
	[tilespmem:$0x18200] =	vst v63  }
0x37: {  	s15 =	simm.s32 $0x1A00  }
0x38: {  	[tilespmem:s15], [sflag:$0x1] =	stream.indirect_vreg.gather [hbm4b:s2+s3], $0x80, v3, vm0, $0xb8;
	[tilespmem:$0x18200] =	vst v63  }
0x39: {  	s16 =	simm.s32 $0x2200  }
0x3a: {  	[tilespmem:s16], [sflag:$0x1] =	stream.indirect_vreg.gather [hbm4b:s7+s3], $0x80, v3, vm0, $0xb8;
	[tilespmem:$0x18200] =	vst v63  }
0x3b: {  	s19 =	simm.s32 $0x2A00  }
0x3c: {  	[tilespmem:s19], [sflag:$0x1] =	stream.indirect_vreg.gather [hbm4b:s8+s3], $0x80, v3, vm0, $0xb8;
	[tilespmem:$0x18200] =	vst v63  }
0x3d: {  	v3 =	vld [tilespmem:$0x10];
	_ =	sdelay $0x4  }
0x3e: {  	v61 =	vshrl.u32 v3, $0x3  }
0x3f: {  	v4 =	vmul.u32 $0x30, v61  }
0x40: {  	v3 =	vand.u32 $0x7, v3  }
0x41: {  	v3 =	vor.u32 v3, v4  }
0x42: {  	v4 =	vperm.xlane v3, v0;
	_ =	sdelay $0x1  }
0x43: {  	v4 =	vadd.s32 v1, v4;
	_ =	sdelay $0x3  }
0x44: {  	s20 =	simm.s32 $0x3200;
	v3 =	vperm.xlane v3, v2  }
0x45: {  	[tilespmem:s20], [sflag:$0x1] =	stream.indirect_vreg.gather [hbm4b:s2+s3], $0x80, v4, vm0, $0xb8;
	[tilespmem:$0x18200] =	vst v63  }
0x46: {  	s21 =	simm.s32 $0x3A00;
	v3 =	vadd.s32 v1, v3  }
0x47: {  	[tilespmem:s21], [sflag:$0x1] =	stream.indirect_vreg.gather [hbm4b:s7+s3], $0x80, v4, vm0, $0xb8;
	[tilespmem:$0x18200] =	vst v63  }
0x48: {  	s22 =	simm.s32 $0x4200  }
0x49: {  	[tilespmem:s22], [sflag:$0x1] =	stream.indirect_vreg.gather [hbm4b:s8+s3], $0x80, v4, vm0, $0xb8;
	[tilespmem:$0x18200] =	vst v63  }
0x4a: {  	s23 =	simm.s32 $0x4A00  }
0x4b: {  	[tilespmem:s23], [sflag:$0x1] =	stream.indirect_vreg.gather [hbm4b:s2+s3], $0x80, v3, vm0, $0xb8;
	[tilespmem:$0x18200] =	vst v63  }
0x4c: {  	_ = 	snop  }
0x4d: {  	[tilespmem:s24], [sflag:$0x1] =	stream.indirect_vreg.gather [hbm4b:s7+s3], $0x80, v3, vm0, $0xb8;
	[tilespmem:$0x18200] =	vst v63  }
0x4e: {  	_ = 	snop  }
0x4f: {  	[tilespmem:s25], [sflag:$0x1] =	stream.indirect_vreg.gather [hbm4b:s8+s3], $0x80, v3, vm0, $0xb8;
	[tilespmem:$0x18200] =	vst v63  }
0x50: {  	v3 =	vld [tilespmem:$0x100];
	_ =	sdelay $0x4  }
0x51: {  	v62 =	vshll.u32 v3, $0x1  }
0x52: {  	v3 =	vand.u32 $0x7, v3;
	v4 =	vand.u32 $0xFFFFFFF0, v62  }
0x53: {  	v3 =	vor.u32 v3, v4  }
0x54: {  	v4 =	vperm.xlane v3, v0;
	_ =	sdelay $0x1  }
0x55: {  	v3 =	vperm.xlane v3, v2;
	v4 =	vadd.s32 v1, v4;
	_ =	sdelay $0x1  }
0x56: {  	v3 =	vadd.s32 v1, v3;
	_ =	sdelay $0x2  }
0x57: {  	[tilespmem:s26], [sflag:$0x2] =	stream.indirect_vreg.gather [hbm4b:s4+s3], $0x80, v4, vm0, $0xb8;
	[tilespmem:$0x18200] =	vst v63  }
0x58: {  	_ = 	snop  }
0x59: {  	[tilespmem:s28], [sflag:$0x2] =	stream.indirect_vreg.gather [hbm4b:s4+s3], $0x80, v3, vm0, $0xb8;
	[tilespmem:$0x18200] =	vst v63  }
0x5a: {  	v3 =	vld [tilespmem:$0x110];
	_ =	sdelay $0x4  }
0x5b: {  	v63 =	vshll.u32 v3, $0x1  }
0x5c: {  	v3 =	vand.u32 $0x7, v3;
	v4 =	vand.u32 $0xFFFFFFF0, v63  }
0x5d: {  	v3 =	vor.u32 v3, v4  }
0x5e: {  	v4 =	vperm.xlane v3, v0;
	_ =	sdelay $0x1  }
0x5f: {  	v3 =	vperm.xlane v3, v2;
	v4 =	vadd.s32 v1, v4;
	_ =	sdelay $0x1  }
0x60: {  	v3 =	vadd.s32 v1, v3  }
.Ltmp2:
0x61: {  	_ = 	snop;
	(pc) =	sbr.rel .LBB2_2-.Ltmp2, $4  }
0x62: {  	s10 =	smov.u32 s18;
	s11 =	smov.u32 s17  }
0x63: {  	[tilespmem:s29], [sflag:$0x2] =	stream.indirect_vreg.gather [hbm4b:s4+s3], $0x80, v4, vm0, $0xb8;
	[tilespmem:$0x18200] =	vst v63  }
0x64: {  	s15 =	simm.s32 $0x30;
	s16 =	simm.s32 $0x130;
	s19 =	simm.s32 $0x0  }
0x65: {  	[tilespmem:s30], [sflag:$0x2] =	stream.indirect_vreg.gather [hbm4b:s4+s3], $0x80, v3, vm0, $0xb8;
	[tilespmem:$0x18200] =	vst v63  }
.LBB2_4:
0x66: {  	s21 =	smul.u32 $0xAB, s19;
	_ =	sdelay $0x1  }
0x67: {  	s21 =	sshrl.u32 s21, $0x9  }
0x68: {  	s21 =	sand.u32 $0x7F, s21  }
0x69: {  	s21 =	smul.u32 $0x3, s21  }
0x6a: {  	_ =	swait.ge [sflag:s31], $0x6000  }
0x6b: {  	[sflag:s31] =	ssyncset.done $0x0;
	s22 =	ssub.s32 s19, s21  }
0x6c: {  	[sflag:s31] =	ssyncadd.s32 $0xFFFFA000;
	s19 =	sand.u32 $0xFF, s22  }
0x6d: {  	_ =	swait.ge [sflag:s1], $0x2000;
	s23 =	smul.u32 $0x18000, s19  }
0x6e: {  	[sflag:s1] =	ssyncset.done $0x0  }
0x6f: {  	p0 =	sne.s32 s20, $0x8;
	[sflag:s1] =	ssyncadd.s32 $0xFFFFE000;
	s21 =	sshrl.u32 s23, $0x2  }
.Ltmp3:
0x70: {  	s19 =	sshll.u32 s19, $0xD;
	s21 =	sor.u32 $0x200, s21;
	(pc) =	sbr.rel @!p0 .LBB2_5-.Ltmp3, $4  }
0x71: {  	[hbm4b:s11+s3] =	stream.linear.scatter [tilespmem:s21], [sflag:$0x3], $0x6000, $0x38;
	[tilespmem:$0x18200] =	vst v63  }
0x72: {  	s15 =	sadd.s32 $0x20, s15;
	s16 =	sadd.s32 $0x20, s16;
	s19 =	sadd.s32 $0x12200, s19  }
0x73: {  	[hbm4b:s10+s3] =	stream.linear.scatter [tilespmem:s19], [sflag:$0x4], $0x2000, $0x38;
	[tilespmem:$0x18200] =	vst v63  }
0x74: {  	s11 =	sadd.s32 $0xC00, s11;
	s10 =	sadd.s32 $0x400, s10;
	s19 =	smov.u32 s20  }
.LBB2_2:
0x75: {  	p0 =	seq.s32 s19, $0x7  }
.Ltmp4:
0x76: {  	_ = 	snop;
	(pc) =	sbr.rel @p0 .LBB2_4-.Ltmp4, $2  }
0x77: {  	_ =	sdelay $0x2  }
0x78: {  	s20 =	sadd.s32 $0x1, s19  }
0x79: {  	p0 =	slt.u32 s19, $0x2  }
0x7a: {  	s21 =	simm.s32 @!p0 $0x3  }
0x7b: {  	_ =	swait.ge @!p0 [sflag:s21], $0x6000  }
0x7c: {  	[sflag:s21] =	ssyncset.done @!p0 $0x0  }
0x7d: {  	[sflag:s21] =	ssyncadd.s32 @!p0 $0xFFFFA000;
	s21 =	simm.s32 @!p0 $0x4  }
0x7e: {  	_ =	swait.ge @!p0 [sflag:s21], $0x2000  }
0x7f: {  	[sflag:s21] =	ssyncset.done @!p0 $0x0  }
0x80: {  	[sflag:s21] =	ssyncadd.s32 @!p0 $0xFFFFE000  }
0x81: {  	v3 =	vld [tilespmem:s15+$0xFFFFFFF0];
	_ =	sdelay $0x3  }
0x82: {  	s22 =	smul.u32 $0xAB, s20  }
0x83: {  	v4 =	vshrl.u32 v3, $0x3  }
0x84: {  	s21 =	sshrl.u32 s22, $0x9;
	v4 =	vmul.u32 $0x30, v4  }
0x85: {  	s21 =	sand.u32 $0x7F, s21;
	v3 =	vand.u32 $0x7, v3  }
0x86: {  	s21 =	smul.u32 $0x3, s21;
	v3 =	vor.u32 v3, v4  }
0x87: {  	v4 =	vperm.xlane v3, v0  }
0x88: {  	s21 =	ssub.s32 s20, s21  }
0x89: {  	s21 =	sand.u32 $0xFF, s21;
	v4 =	vadd.s32 v1, v4  }
0x8a: {  	s22 =	smul.u32 $0x18000, s21;
	_ =	sdelay $0x1  }
0x8b: {  	s22 =	sshrl.u32 s22, $0x2  }
0x8c: {  	s23 =	sor.u32 $0x200, s22;
	v3 =	vperm.xlane v3, v2  }
0x8d: {  	[tilespmem:s23], [sflag:$0x1] =	stream.indirect_vreg.gather [hbm4b:s2+s3], $0x80, v4, vm0, $0xb8;
	[tilespmem:$0x18200] =	vst v63  }
0x8e: {  	v3 =	vadd.s32 v1, v3;
	s23 =	sor.u32 $0xA00, s22  }
0x8f: {  	[tilespmem:s23], [sflag:$0x1] =	stream.indirect_vreg.gather [hbm4b:s7+s3], $0x80, v4, vm0, $0xb8;
	[tilespmem:$0x18200] =	vst v63  }
0x90: {  	s23 =	sor.u32 $0x1200, s22  }
0x91: {  	[tilespmem:s23], [sflag:$0x1] =	stream.indirect_vreg.gather [hbm4b:s8+s3], $0x80, v4, vm0, $0xb8;
	[tilespmem:$0x18200] =	vst v63  }
0x92: {  	s23 =	sor.u32 $0x1A00, s22  }
0x93: {  	[tilespmem:s23], [sflag:$0x1] =	stream.indirect_vreg.gather [hbm4b:s2+s3], $0x80, v3, vm0, $0xb8;
	[tilespmem:$0x18200] =	vst v63  }
0x94: {  	s23 =	sadd.s32 $0x2200, s22  }
0x95: {  	[tilespmem:s23], [sflag:$0x1] =	stream.indirect_vreg.gather [hbm4b:s7+s3], $0x80, v3, vm0, $0xb8;
	[tilespmem:$0x18200] =	vst v63  }
0x96: {  	s23 =	sadd.s32 $0x2A00, s22  }
0x97: {  	[tilespmem:s23], [sflag:$0x1] =	stream.indirect_vreg.gather [hbm4b:s8+s3], $0x80, v3, vm0, $0xb8;
	[tilespmem:$0x18200] =	vst v63  }
0x98: {  	v3 =	vld [tilespmem:s15+$0x0];
	_ =	sdelay $0x4  }
0x99: {  	v61 =	vshrl.u32 v3, $0x3  }
0x9a: {  	v4 =	vmul.u32 $0x30, v61  }
0x9b: {  	v3 =	vand.u32 $0x7, v3  }
0x9c: {  	v3 =	vor.u32 v3, v4  }
0x9d: {  	v4 =	vperm.xlane v3, v0;
	_ =	sdelay $0x1  }
0x9e: {  	v4 =	vadd.s32 v1, v4;
	_ =	sdelay $0x3  }
0x9f: {  	s23 =	sadd.s32 $0x3200, s22;
	v3 =	vperm.xlane v3, v2  }
0xa0: {  	[tilespmem:s23], [sflag:$0x1] =	stream.indirect_vreg.gather [hbm4b:s2+s3], $0x80, v4, vm0, $0xb8;
	[tilespmem:$0x18200] =	vst v63  }
0xa1: {  	v3 =	vadd.s32 v1, v3;
	s23 =	sadd.s32 $0x3A00, s22  }
0xa2: {  	[tilespmem:s23], [sflag:$0x1] =	stream.indirect_vreg.gather [hbm4b:s7+s3], $0x80, v4, vm0, $0xb8;
	[tilespmem:$0x18200] =	vst v63  }
0xa3: {  	s23 =	sadd.s32 $0x4200, s22  }
0xa4: {  	[tilespmem:s23], [sflag:$0x1] =	stream.indirect_vreg.gather [hbm4b:s8+s3], $0x80, v4, vm0, $0xb8;
	[tilespmem:$0x18200] =	vst v63  }
0xa5: {  	s23 =	sadd.s32 $0x4A00, s22  }
0xa6: {  	[tilespmem:s23], [sflag:$0x1] =	stream.indirect_vreg.gather [hbm4b:s2+s3], $0x80, v3, vm0, $0xb8;
	[tilespmem:$0x18200] =	vst v63  }
0xa7: {  	s23 =	sadd.s32 $0x5200, s22  }
0xa8: {  	[tilespmem:s23], [sflag:$0x1] =	stream.indirect_vreg.gather [hbm4b:s7+s3], $0x80, v3, vm0, $0xb8;
	[tilespmem:$0x18200] =	vst v63  }
0xa9: {  	s22 =	sadd.s32 $0x5A00, s22  }
0xaa: {  	[tilespmem:s22], [sflag:$0x1] =	stream.indirect_vreg.gather [hbm4b:s8+s3], $0x80, v3, vm0, $0xb8;
	[tilespmem:$0x18200] =	vst v63  }
0xab: {  	v3 =	vld [tilespmem:s16+$0xFFFFFFF0];
	_ =	sdelay $0x4  }
0xac: {  	v62 =	vshll.u32 v3, $0x1  }
0xad: {  	v3 =	vand.u32 $0x7, v3;
	v4 =	vand.u32 $0xFFFFFFF0, v62  }
0xae: {  	v3 =	vor.u32 v3, v4  }
0xaf: {  	v4 =	vperm.xlane v3, v0;
	_ =	sdelay $0x1  }
0xb0: {  	v3 =	vperm.xlane v3, v2;
	v4 =	vadd.s32 v1, v4;
	_ =	sdelay $0x1  }
0xb1: {  	v3 =	vadd.s32 v1, v3  }
0xb2: {  	s21 =	sshll.u32 s21, $0xD  }
0xb3: {  	s23 =	sadd.s32 $0x12200, s21  }
0xb4: {  	[tilespmem:s23], [sflag:$0x2] =	stream.indirect_vreg.gather [hbm4b:s4+s3], $0x80, v4, vm0, $0xb8;
	[tilespmem:$0x18200] =	vst v63  }
0xb5: {  	s23 =	sadd.s32 $0x12A00, s21  }
0xb6: {  	[tilespmem:s23], [sflag:$0x2] =	stream.indirect_vreg.gather [hbm4b:s4+s3], $0x80, v3, vm0, $0xb8;
	[tilespmem:$0x18200] =	vst v63  }
0xb7: {  	v3 =	vld [tilespmem:s16+$0x0];
	_ =	sdelay $0x4  }
0xb8: {  	v63 =	vshll.u32 v3, $0x1  }
0xb9: {  	v3 =	vand.u32 $0x7, v3;
	v4 =	vand.u32 $0xFFFFFFF0, v63  }
0xba: {  	v3 =	vor.u32 v3, v4  }
0xbb: {  	v4 =	vperm.xlane v3, v0;
	_ =	sdelay $0x1  }
0xbc: {  	v3 =	vperm.xlane v3, v2;
	v4 =	vadd.s32 v1, v4;
	_ =	sdelay $0x1  }
0xbd: {  	v3 =	vadd.s32 v1, v3  }
.Ltmp5:
0xbe: {  	_ = 	snop;
	(pc) =	sbr.rel .LBB2_4-.Ltmp5, $4  }
0xbf: {  	s23 =	sadd.s32 $0x13200, s21  }
0xc0: {  	[tilespmem:s23], [sflag:$0x2] =	stream.indirect_vreg.gather [hbm4b:s4+s3], $0x80, v4, vm0, $0xb8;
	[tilespmem:$0x18200] =	vst v63  }
0xc1: {  	s21 =	sadd.s32 $0x13A00, s21  }
0xc2: {  	[tilespmem:s21], [sflag:$0x2] =	stream.indirect_vreg.gather [hbm4b:s4+s3], $0x80, v3, vm0, $0xb8;
	[tilespmem:$0x18200] =	vst v63  }
.LBB2_6:
0xc3: {  	_ =	sfence.sel $0x180000  }
0xc4: {  	[bflag:$0x0] =	sbarrier.arrive $0xFFFF  }
0xc5: {  	_ =	strace $0x90000047  }
0xc6: {  	s0 =	stileid.u32;
	[bflag:$0x2] =	sbarrier.arrive $0xFFFF  }
0xc7: {  	p0 =	sne.s32 s0, $0x0;
	s0 =	rddreg [dreg:$0x3]  }
0xc8: {  	s0 =	sadd.s32 @!p0 $0x100000, s0  }
0xc9: {  	[sflag:s0] =	ssyncadd.tile.s32 @!p0 $0x1;
	_ =	shalt  }
.Lfunc_end2:
_tile_overlayer_lowered:
.L_overlay_start_2:
0xca: {  	(tag) =	ssettag $0x2  }
0xcb: {  	s0 =	rddreg [dreg:$0x0];
	s2 =	stileid.u32  }
0xcc: {  	s1 =	rddreg [dreg:$0x1];
	p0 =	sne.s32 s2, $0x0  }
0xcd: {  	s3 =	rddreg [dreg:$0x2];
	[bflag:$0x3] =	sbarrier.arrive $0xFFFF;
	s2 =	simm.s32 @!p0 $0x1C05  }
0xce: {  	[timem:s3], [sflag:s2] =	dma.local @!p0 [hbm:s0], s1  }
0xcf: {  	s0 =	simm.s32 @!p0 $0x5  }
0xd0: {  	_ =	swait.ge @!p0 [sflag:s0], s1  }
0xd1: {  	s1 =	ssub.s32 @!p0 $0x0, s1;
	[sflag:s0] =	ssyncset.done @!p0 $0x0  }
0xd2: {  	[sflag:s0] =	ssyncadd.s32 @!p0 s1  }
0xd3: {  	[bflag:$0x3] =	sbarrier.arrive $0xFFFF  }
0xd4: {  	_ =	shalt  }

</sc_bundles>
